<compile_context>
chip_gen: v7x
topology: tpu7x:2x2x1
jax: 0.10.2.dev20260603
libtpu: 0.0.44.dev20260713+nightly
codegen_flags: <defaults>
</compile_context>

<pallas_src>
import functools

import jax
import jax.numpy as jnp
from jax import lax
from jax.experimental import pallas as pl
from jax.experimental.pallas import tpu as pltpu
from jax.experimental.pallas import tpu_sc as plsc

_R2 = 0.2 * 0.2
_K = 32
_EPS = 1e-5
_L = 16




def _d2_body(q_ref, p_ref, o_ref):
    q = q_ref[0]
    p = p_ref[0]
    dt = jax.lax.dot_general(q, p, (((1,), (1,)), ((), ())),
                             preferred_element_type=jnp.float32)
    qq = q * q
    pp = p * p
    qn = (qq[:, 0:1] + qq[:, 1:2]) + qq[:, 2:3]
    pn = (pp[:, 0:1] + pp[:, 1:2]) + pp[:, 2:3]
    o_ref[0] = (qn + pn.T) - 2.0 * dt


def _d2_call(new_xyz, xyz):
    B, N, _ = xyz.shape
    S = new_xyz.shape[1]
    return pl.pallas_call(
        _d2_body,
        grid=(B,),
        in_specs=[pl.BlockSpec((1, S, 3), lambda i: (i, 0, 0)),
                  pl.BlockSpec((1, N, 3), lambda i: (i, 0, 0))],
        out_specs=pl.BlockSpec((1, S, N), lambda i: (i, 0, 0)),
        out_shape=jax.ShapeDtypeStruct((B, S, N), jnp.float32),
    )(new_xyz, xyz)


def _sc_ball_gather(d2_flat, xyz_t, nxyz_t, pts_flat, B, N, S, Cin):
    QW = (B * S) // 32
    NCHUNK = N // _L
    R = B * S * _K

    mesh = plsc.VectorSubcoreMesh(core_axis_name="c", subcore_axis_name="s")

    def body(d2_hbm, xyz_hbm, nxyz_hbm, pts_hbm, feat_out, rel_out,
             xyz_v, nx_v, buf_v, idx_v, rel_v, feat_v, idxg_v, d2_v,
             sem, sem0, sem1):
        wid = lax.axis_index("s") * 2 + lax.axis_index("c")
        b = wid // 2
        half = wid % 2
        qbase = b * S + half * QW

        pltpu.sync_copy(xyz_hbm.at[b], xyz_v)
        for c in range(3):
            pltpu.sync_copy(nxyz_hbm.at[b, pl.ds(c * S + half * QW, QW)],
                            nx_v.at[pl.ds(c * QW, QW)])

        zf = jnp.zeros((_L,), jnp.float32)
        for i in range(_K * 8 // _L):
            rel_v[pl.ds(i * _L, _L)] = zf

        lane = lax.iota(jnp.int32, _L)
        zero16 = jnp.zeros((_L,), jnp.int32)

        def per_query(q, dbase):
            qsp = lax.broadcast(q, (_L,))
            qx = plsc.load_gather(nx_v, [qsp])
            qy = plsc.load_gather(nx_v, [qsp + QW])
            qz = plsc.load_gather(nx_v, [qsp + 2 * QW])

            U = 8

            def cond(st):
                i, cur = st
                return jnp.logical_and(cur < _K, i < NCHUNK)

            def scan_group(st):
                i, cur = st
                ms, cs = [], []
                for u in range(U):
                    d2 = d2_v[pl.ds(dbase + (i + u) * _L, _L)]
                    m = d2 <= _R2
                    ms.append(m)
                    cs.append(jnp.sum(m.astype(jnp.int32)))
                o = cur
                for u in range(U):
                    iv = lane + (i + u) * _L
                    plsc.store_compressed(buf_v.at[pl.ds(o, _L)], iv,
                                          mask=ms[u])
                    o = o + cs[u]
                return i + U, o

            _, cursor = lax.while_loop(cond, scan_group, (0, 0))

            cvec = lax.broadcast(cursor, (_L,))
            far = zero16 + (N - 1)

            for h in range(_K // _L):
                jvec = lane + h * _L
                jsel = jnp.where(jvec < cvec, jvec, 0)
                gihalf = plsc.load_gather(buf_v, [jsel])
                gi = jnp.where(cvec > 0, gihalf, far)
                gx = plsc.load_gather(xyz_v, [gi])
                gy = plsc.load_gather(xyz_v, [gi + N])
                gz = plsc.load_gather(xyz_v, [gi + 2 * N])
                pos = (jvec * 8)
                plsc.store_scatter(rel_v, [pos], gx - qx)
                plsc.store_scatter(rel_v, [pos + 1], gy - qy)
                plsc.store_scatter(rel_v, [pos + 2], gz - qz)
                idx_v[pl.ds(q * _K + h * _L, _L)] = gi + b * N

            pltpu.sync_copy(rel_v, rel_out.at[pl.ds((qbase + q) * _K * 8, _K * 8)])

        pltpu.async_copy(d2_hbm.at[qbase], d2_v.at[pl.ds(0, N)], sem0)

        def pair(g, _):
            q0 = 2 * g
            pltpu.make_async_copy(d2_hbm.at[qbase + q0],
                                  d2_v.at[pl.ds(0, N)], sem0).wait()
            pltpu.async_copy(d2_hbm.at[qbase + q0 + 1],
                             d2_v.at[pl.ds(N, N)], sem1)
            per_query(q0, 0)
            q1 = q0 + 1
            pltpu.make_async_copy(d2_hbm.at[qbase + q1],
                                  d2_v.at[pl.ds(N, N)], sem1).wait()

            @pl.when(q1 + 1 < QW)
            def _prefetch():
                pltpu.async_copy(d2_hbm.at[qbase + q1 + 1],
                                 d2_v.at[pl.ds(0, N)], sem0)

            per_query(q1, N)
            return _

        lax.fori_loop(0, QW // 2, pair, 0)

        GR = 128
        rowbase = qbase * _K

        def per_gather(g, _):
            for t in range(GR // _L):
                idxg_v[pl.ds(t * _L, _L)] = idx_v[pl.ds(g * GR + t * _L, _L)]
            pltpu.async_copy(pts_hbm.at[idxg_v], feat_v, sem).wait()
            pltpu.sync_copy(feat_v, feat_out.at[pl.ds(rowbase + g * GR, GR)])
            return _

        lax.fori_loop(0, (QW * _K) // GR, per_gather, 0)

    call = pl.kernel(
        body,
        out_type=(
            jax.ShapeDtypeStruct((R, Cin), jnp.float32),
            jax.ShapeDtypeStruct((R * 8,), jnp.float32),
        ),
        mesh=mesh,
        compiler_params=pltpu.CompilerParams(needs_layout_passes=False,
                                             use_tc_tiling_on_sc=False),
        scratch_types=[
            pltpu.VMEM((3 * N,), jnp.float32),
            pltpu.VMEM((3 * QW,), jnp.float32),
            pltpu.VMEM((192,), jnp.int32),
            pltpu.VMEM((QW * _K,), jnp.int32),
            pltpu.VMEM((_K * 8,), jnp.float32),
            pltpu.VMEM((128, Cin), jnp.float32),
            pltpu.VMEM((128,), jnp.int32),
            pltpu.VMEM((2 * N,), jnp.float32),
            pltpu.SemaphoreType.DMA,
            pltpu.SemaphoreType.DMA,
            pltpu.SemaphoreType.DMA,
        ],
    )
    return call(d2_flat, xyz_t, nxyz_t, pts_flat)



_BLK = 8192


def _h_first(feat, rel, w0f, w0r, b0):
    h = jnp.dot(feat, w0f, preferred_element_type=jnp.float32)
    h = h + jnp.dot(rel, w0r, preferred_element_type=jnp.float32)
    return h + b0


def _stats_tail(i, h, out_ref, acc_ref):
    @pl.when(i == 0)
    def _():
        acc_ref[...] = jnp.zeros_like(acc_ref)

    acc_ref[0:1] += jnp.sum(h, axis=0, keepdims=True)
    acc_ref[1:2] += jnp.sum(h * h, axis=0, keepdims=True)

    @pl.when(i == pl.num_programs(0) - 1)
    def _():
        out_ref[...] = acc_ref[...]


def _pass_a_body(feat_ref, rel_ref, w0f, w0r, b0, out_ref, acc_ref):
    i = pl.program_id(0)
    h = _h_first(feat_ref[...], rel_ref[...], w0f[...], w0r[...], b0[...])
    _stats_tail(i, h, out_ref, acc_ref)


def _pass_b_body(feat_ref, rel_ref, w0f, w0r, b0, sc1, sh1, w1, b1,
                 out_ref, acc_ref):
    i = pl.program_id(0)
    h = _h_first(feat_ref[...], rel_ref[...], w0f[...], w0r[...], b0[...])
    y1 = jnp.maximum(h * sc1[...] + sh1[...], 0.0)
    h2 = jnp.dot(y1, w1[...], preferred_element_type=jnp.float32) + b1[...]
    _stats_tail(i, h2, out_ref, acc_ref)


def _pass_c_body(feat_ref, rel_ref, w0f, w0r, b0, sc1, sh1, w1, b1, sc2, sh2,
                 w2, b2, out_ref, acc_ref):
    i = pl.program_id(0)
    h = _h_first(feat_ref[...], rel_ref[...], w0f[...], w0r[...], b0[...])
    y1 = jnp.maximum(h * sc1[...] + sh1[...], 0.0)
    h2 = jnp.dot(y1, w1[...], preferred_element_type=jnp.float32) + b1[...]
    y2 = jnp.maximum(h2 * sc2[...] + sh2[...], 0.0)
    h3 = jnp.dot(y2, w2[...], preferred_element_type=jnp.float32) + b2[...]
    _stats_tail(i, h3, out_ref, acc_ref)


def _pass_d_body(feat_ref, rel_ref, w0f, w0r, b0, sc1, sh1, w1, b1, sc2, sh2,
                 w2, b2, sc3, sh3, out_ref):
    h = _h_first(feat_ref[...], rel_ref[...], w0f[...], w0r[...], b0[...])
    y1 = jnp.maximum(h * sc1[...] + sh1[...], 0.0)
    h2 = jnp.dot(y1, w1[...], preferred_element_type=jnp.float32) + b1[...]
    y2 = jnp.maximum(h2 * sc2[...] + sh2[...], 0.0)
    h3 = jnp.dot(y2, w2[...], preferred_element_type=jnp.float32) + b2[...]
    y3 = jnp.maximum(h3 * sc3[...] + sh3[...], 0.0)
    co = y3.shape[-1]
    out_ref[...] = jnp.max(y3.reshape(_BLK // _K, _K, co), axis=1)


def _full(shape):
    return pl.BlockSpec(shape, lambda i: (0,) * len(shape))


def _stats_call(body, n_extra_specs, cout, R):
    grid = (R // _BLK,)
    in_specs = [
        pl.BlockSpec((_BLK, 64), lambda i: (i, 0)),
        pl.BlockSpec((_BLK, 8), lambda i: (i, 0)),
    ] + n_extra_specs
    return pl.pallas_call(
        body,
        grid=grid,
        in_specs=in_specs,
        out_specs=_full((8, cout)),
        out_shape=jax.ShapeDtypeStruct((8, cout), jnp.float32),
        scratch_shapes=[pltpu.VMEM((8, cout), jnp.float32)],
    )


def _fold(stats, g, be, R):
    s1 = stats[0]
    s2 = stats[1]
    mean = s1 / R
    var = s2 / R - mean * mean
    scale = g / jnp.sqrt(var + _EPS)
    shift = be - mean * scale
    return scale[None, :], shift[None, :]




def kernel(xyz, points, new_xyz, W0, b0, g0, be0, W1, b1, g1, be1,
           W2, b2, g2, be2):
    B, N, Cin = points.shape
    S = new_xyz.shape[1]
    R = B * S * _K

    xyz_t = jnp.transpose(xyz, (0, 2, 1)).reshape(B, 3 * N)
    nxyz_t = jnp.transpose(new_xyz, (0, 2, 1)).reshape(B, 3 * S)
    pts_flat = points.reshape(B * N, Cin)

    d2_flat = _d2_call(new_xyz, xyz).reshape(B * S, N)
    feat, rel_flat = _sc_ball_gather(d2_flat, xyz_t, nxyz_t, pts_flat,
                                     B, N, S, Cin)
    rel = rel_flat.reshape(R, 8)

    w0r = jnp.pad(W0[:, :3], ((0, 0), (0, 5))).T
    w0f = W0[:, 3:].T
    w1 = W1.T
    w2 = W2.T
    b0r = b0[None, :]
    b1r = b1[None, :]
    b2r = b2[None, :]

    wspec = [_full((64, 64)), _full((8, 64)), _full((1, 64))]
    stats1 = _stats_call(_pass_a_body, wspec, 64, R)(feat, rel, w0f, w0r, b0r)
    sc1, sh1 = _fold(stats1, g0, be0, R)

    spec_b = wspec + [_full((1, 64)), _full((1, 64)), _full((64, 128)),
                      _full((1, 128))]
    stats2 = _stats_call(_pass_b_body, spec_b, 128, R)(
        feat, rel, w0f, w0r, b0r, sc1, sh1, w1, b1r)
    sc2, sh2 = _fold(stats2, g1, be1, R)

    spec_c = spec_b + [_full((1, 128)), _full((1, 128)), _full((128, 128)),
                       _full((1, 128))]
    stats3 = _stats_call(_pass_c_body, spec_c, 128, R)(
        feat, rel, w0f, w0r, b0r, sc1, sh1, w1, b1r, sc2, sh2, w2, b2r)
    sc3, sh3 = _fold(stats3, g2, be2, R)

    spec_d = spec_c + [_full((1, 128)), _full((1, 128))]
    out = pl.pallas_call(
        _pass_d_body,
        grid=(R // _BLK,),
        in_specs=[
            pl.BlockSpec((_BLK, 64), lambda i: (i, 0)),
            pl.BlockSpec((_BLK, 8), lambda i: (i, 0)),
        ] + spec_d,
        out_specs=pl.BlockSpec((_BLK // _K, 128), lambda i: (i, 0)),
        out_shape=jax.ShapeDtypeStruct((B * S, 128), jnp.float32),
    )(feat, rel, w0f, w0r, b0r, sc1, sh1, w1, b1r, sc2, sh2, w2, b2r,
      sc3, sh3)

    new_points = jnp.transpose(out.reshape(B, S, 128), (0, 2, 1))
    return new_xyz, new_points

# --- scband reference (transcript-rebuilt; emitter-appended) ---
"""Pipeline reference for scband-single-scale-sa-29953101922677 (READ-ONLY COPY).

The authoritative reference and input builder live on the scoring server;
editing this copy changes nothing except your own understanding.
"""

import jax, jax.numpy as jnp
import numpy as np

RADIUS = 0.2
NSAMPLE = 32
EPS = 1e-5


def _gather(p, idx):
    # p: [B, N, C], idx: [B, S, K] -> [B, S, K, C]
    return jax.vmap(lambda pp, ii: pp[ii])(p, idx)


def setup_inputs(seed: int = 0) -> dict:
    key = jax.random.key(seed)
    ks = jax.random.split(key, 8)
    B, N, S, Cin = 16, 2048, 512, 64
    xyz = jax.random.uniform(ks[0], (B, N, 3), dtype=jnp.float32)
    points = jax.random.normal(ks[1], (B, N, Cin), dtype=jnp.float32)
    new_xyz = jax.random.uniform(ks[2], (B, S, 3), dtype=jnp.float32)
    dims = [Cin + 3, 64, 128, 128]
    out = {"xyz": xyz, "points": points, "new_xyz": new_xyz}
    for l in range(3):
        k = jax.random.fold_in(ks[3], l)
        out[f"W{l}"] = jax.random.normal(k, (dims[l + 1], dims[l]), dtype=jnp.float32) * (1.0 / np.sqrt(dims[l]))
        out[f"b{l}"] = jnp.zeros((dims[l + 1],), dtype=jnp.float32)
        out[f"g{l}"] = jnp.ones((dims[l + 1],), dtype=jnp.float32)
        out[f"be{l}"] = jnp.zeros((dims[l + 1],), dtype=jnp.float32)
    return out


def _forward(xyz, points, new_xyz, W0, b0, g0, be0, W1, b1, g1, be1, W2, b2, g2, be2):
    B, S, _ = new_xyz.shape
    N = xyz.shape[1]
    # squared distances [B, S, N] (avoid sqrt; compare against radius^2)
    d2 = (jnp.sum(new_xyz ** 2, -1)[:, :, None]
          + jnp.sum(xyz ** 2, -1)[:, None, :]
          - 2.0 * jnp.einsum('bsd,bnd->bsn', new_xyz, xyz))
    arange = jnp.arange(N, dtype=jnp.int32)[None, None, :]
    gidx = jnp.where(d2 > RADIUS * RADIUS, N, arange)
    gidx = jnp.sort(gidx, axis=-1)[:, :, :NSAMPLE]
    first = gidx[:, :, :1]
    gidx = jnp.where(gidx == N, first, gidx)
    grouped_xyz = _gather(xyz, gidx) - new_xyz[:, :, None, :]
    grouped_pts = _gather(points, gidx)
    gp = jnp.concatenate([grouped_xyz, grouped_pts], axis=-1)  # [B, S, K, C]
    x = jnp.transpose(gp, (0, 3, 2, 1))  # [B, C, K, S]
    for W, b, g, be in ((W0, b0, g0, be0), (W1, b1, g1, be1), (W2, b2, g2, be2)):
        x = jnp.einsum('oi,biks->boks', W, x) + b[None, :, None, None]
        mean = jnp.mean(x, axis=(0, 2, 3), keepdims=True)
        var = jnp.var(x, axis=(0, 2, 3), keepdims=True)
        x = g[None, :, None, None] * (x - mean) / jnp.sqrt(var + EPS) + be[None, :, None, None]
        x = jax.nn.relu(x)
    new_points = jnp.max(x, axis=2)  # [B, C_out, S]
    return new_xyz, new_points


def reference(xyz, points, new_xyz, W0, b0, g0, be0, W1, b1, g1, be1, W2, b2, g2, be2):
    return _forward(xyz, points, new_xyz, W0, b0, g0, be0, W1, b1, g1, be1, W2, b2, g2, be2)

if __name__ == "__main__":
    import jax
    _d = setup_inputs()
    print(jax.jit(kernel)(*tuple(_d.values())))

</pallas_src>

<mosaic_0001>
#map = affine_map<(d0, d1) -> (0, 0)>
#map1 = affine_map<(d0, d1) -> (0)>
module attributes {stable_mosaic.version = 14 : i64} {
  func.func @body(%arg0: i32, %arg1: i32, %arg2: memref<8192x2048xf32, #tpu.memory_space<hbm>>, %arg3: memref<16x6144xf32, #tpu.memory_space<hbm>>, %arg4: memref<16x1536xf32, #tpu.memory_space<hbm>>, %arg5: memref<32768x64xf32, #tpu.memory_space<hbm>>, %arg6: memref<262144x64xf32, #tpu.memory_space<hbm>>, %arg7: memref<2097152xf32, #tpu.memory_space<hbm>>, %arg8: memref<6144xf32, #tpu.memory_space<vmem>>, %arg9: memref<768xf32, #tpu.memory_space<vmem>>, %arg10: memref<192xi32, #tpu.memory_space<vmem>>, %arg11: memref<8192xi32, #tpu.memory_space<vmem>>, %arg12: memref<256xf32, #tpu.memory_space<vmem>>, %arg13: memref<128x64xf32, #tpu.memory_space<vmem>>, %arg14: memref<128xi32, #tpu.memory_space<vmem>>, %arg15: memref<4096xf32, #tpu.memory_space<vmem>>, %arg16: memref<!tpu.dma_semaphore, #tpu.memory_space<semaphore_mem>>, %arg17: memref<!tpu.dma_semaphore, #tpu.memory_space<semaphore_mem>>, %arg18: memref<!tpu.dma_semaphore, #tpu.memory_space<semaphore_mem>>) attributes {dimension_semantics = [#tpu.dimension_semantics<core_parallel>, #tpu.dimension_semantics<subcore_parallel>], iteration_bounds = array<i64: 2, 16>, scalar_prefetch = 0 : i64, scratch_operands = 11 : i64, tpu.core_type = #tpu.core_type<sc_vector_subcore>, window_params = [{transform_indices = #map}, {transform_indices = #map}, {transform_indices = #map}, {transform_indices = #map}, {transform_indices = #map}, {transform_indices = #map1}]} {
    %mul3A = arith.constant 2 : i32
    %mul3A_0 = arith.muli %arg1, %mul3A : i32
    %add3A = arith.addi %mul3A_0, %arg0 : i32
    %jit3A = arith.constant 2 : i32
    %div3A = arith.divsi %add3A, %jit3A : i32
    %sign3A = arith.constant 0 : i32
    %sign3A_1 = arith.cmpi sgt, %add3A, %sign3A : i32
    %sign3A_2 = arith.extui %sign3A_1 : i1 to i32
    %sign3A_3 = arith.constant 0 : i32
    %sign3A_4 = arith.cmpi slt, %add3A, %sign3A_3 : i32
    %sign3A_5 = arith.extui %sign3A_4 : i1 to i32
    %sign3A_6 = arith.subi %sign3A_2, %sign3A_5 : i32
    %sign3A_7 = arith.constant 0 : i32
    %sign3A_8 = arith.cmpi sgt, %jit3A, %sign3A_7 : i32
    %sign3A_9 = arith.extui %sign3A_8 : i1 to i32
    %sign3A_10 = arith.constant 0 : i32
    %sign3A_11 = arith.cmpi slt, %jit3A, %sign3A_10 : i32
    %sign3A_12 = arith.extui %sign3A_11 : i1 to i32
    %sign3A_13 = arith.subi %sign3A_9, %sign3A_12 : i32
    %ne3A = arith.cmpi ne, %sign3A_6, %sign3A_13 : i32
    %rem3A = arith.remsi %add3A, %jit3A : i32
    %ne3A_14 = arith.constant 0 : i32
    %ne3A_15 = arith.cmpi ne, %rem3A, %ne3A_14 : i32
    %and3A = arith.andi %ne3A, %ne3A_15 : i1
    %sub3A = arith.constant 1 : i32
    %sub3A_16 = arith.subi %div3A, %sub3A : i32
    %select_n3A = arith.select %and3A, %sub3A_16, %div3A : i32
    %jit3A_17 = arith.constant 2 : i32
    %eq3A = arith.constant 0 : i32
    %eq3A_18 = arith.cmpi eq, %jit3A_17, %eq3A : i32
    %jit3A_19 = arith.constant 1 : i32
    %select_n3A_20 = arith.select %eq3A_18, %jit3A_19, %jit3A_17 : i32
    %rem3A_21 = arith.remsi %add3A, %select_n3A_20 : i32
    %ne3A_22 = arith.constant 0 : i32
    %ne3A_23 = arith.cmpi ne, %rem3A_21, %ne3A_22 : i32
    %lt3A = arith.constant 0 : i32
    %lt3A_24 = arith.cmpi slt, %rem3A_21, %lt3A : i32
    %lt3A_25 = arith.constant 0 : i32
    %lt3A_26 = arith.cmpi slt, %select_n3A_20, %lt3A_25 : i32
    %ne3A_27 = arith.xori %lt3A_24, %lt3A_26 : i1
    %and3A_28 = arith.andi %ne3A_27, %ne3A_23 : i1
    %add3A_29 = arith.addi %rem3A_21, %select_n3A_20 : i32
    %select_n3A_30 = arith.select %and3A_28, %add3A_29, %rem3A_21 : i32
    %mul3A_31 = arith.constant 512 : i32
    %mul3A_32 = arith.muli %select_n3A, %mul3A_31 : i32
    %mul3A_33 = arith.constant 256 : i32
    %mul3A_34 = arith.muli %select_n3A_30, %mul3A_33 : i32
    %add3A_35 = arith.addi %mul3A_32, %mul3A_34 : i32
    "tpu.region"() ({
      %run_scoped3A = tpu.sem_alloc : memref<!tpu.dma_semaphore, #tpu.memory_space<semaphore_mem>>
      %dma_start3A_104 = arith.constant 0 : i32
      %dma_start3A_105 = tpu.memref_slice %arg3[%select_n3A, %dma_start3A_104] : memref<16x6144xf32, #tpu.memory_space<hbm>> -> memref<1x6144xf32, #tpu.memory_space<hbm>>
      %dma_start3A_106 = tpu.memref_squeeze %dma_start3A_105 : memref<1x6144xf32, #tpu.memory_space<hbm>> -> memref<6144xf32, #tpu.memory_space<hbm>>
      %dma_start3A_107 = arith.constant 0 : i32
      %dma_start3A_108 = tpu.memref_slice %arg3[%select_n3A, %dma_start3A_107] : memref<16x6144xf32, #tpu.memory_space<hbm>> -> memref<1x6144xf32, #tpu.memory_space<hbm>>
      %dma_start3A_109 = tpu.memref_squeeze %dma_start3A_108 : memref<1x6144xf32, #tpu.memory_space<hbm>> -> memref<6144xf32, #tpu.memory_space<hbm>>
      tpu.enqueue_dma source(%dma_start3A_109 : memref<6144xf32, #tpu.memory_space<hbm>>) target(%arg8 : memref<6144xf32, #tpu.memory_space<vmem>>) target_semaphore(%run_scoped3A : memref<!tpu.dma_semaphore, #tpu.memory_space<semaphore_mem>>)
      %dma_wait3A = arith.constant 0 : i32
      %dma_wait3A_110 = tpu.memref_slice %arg3[%select_n3A, %dma_wait3A] : memref<16x6144xf32, #tpu.memory_space<hbm>> -> memref<1x6144xf32, #tpu.memory_space<hbm>>
      %dma_wait3A_111 = tpu.memref_squeeze %dma_wait3A_110 : memref<1x6144xf32, #tpu.memory_space<hbm>> -> memref<6144xf32, #tpu.memory_space<hbm>>
      %dma_wait3A_112 = arith.constant 0 : i32
      %dma_wait3A_113 = tpu.memref_slice %arg3[%select_n3A, %dma_wait3A_112] : memref<16x6144xf32, #tpu.memory_space<hbm>> -> memref<1x6144xf32, #tpu.memory_space<hbm>>
      %dma_wait3A_114 = tpu.memref_squeeze %dma_wait3A_113 : memref<1x6144xf32, #tpu.memory_space<hbm>> -> memref<6144xf32, #tpu.memory_space<hbm>>
      tpu.wait_dma2 semaphore(%run_scoped3A : memref<!tpu.dma_semaphore, #tpu.memory_space<semaphore_mem>>) src(%dma_wait3A_114 : memref<6144xf32, #tpu.memory_space<hbm>>) dst(%arg8 : memref<6144xf32, #tpu.memory_space<vmem>>)
      tpu.yield
    }) : () -> ()
    %mul3A_36 = arith.constant 256 : i32
    %mul3A_37 = arith.muli %select_n3A_30, %mul3A_36 : i32
    %add3A_38 = arith.constant 0 : i32
    %add3A_39 = arith.addi %add3A_38, %mul3A_37 : i32
    "tpu.region"() ({
      %run_scoped3A = tpu.sem_alloc : memref<!tpu.dma_semaphore, #tpu.memory_space<semaphore_mem>>
      %dma_start3A_104 = arith.constant 0 : i32
      %dma_start3A_105 = tpu.memref_slice %arg9[%dma_start3A_104] : memref<768xf32, #tpu.memory_space<vmem>> -> memref<256xf32, #tpu.memory_space<vmem>>
      %dma_start3A_106 = tpu.memref_slice %arg4[%select_n3A, %add3A_39] : memref<16x1536xf32, #tpu.memory_space<hbm>> -> memref<1x256xf32, #tpu.memory_space<hbm>>
      %dma_start3A_107 = tpu.memref_squeeze %dma_start3A_106 : memref<1x256xf32, #tpu.memory_space<hbm>> -> memref<256xf32, #tpu.memory_space<hbm>>
      %dma_start3A_108 = arith.constant 0 : i32
      %dma_start3A_109 = tpu.memref_slice %arg9[%dma_start3A_108] : memref<768xf32, #tpu.memory_space<vmem>> -> memref<256xf32, #tpu.memory_space<vmem>>
      %dma_start3A_110 = tpu.memref_slice %arg4[%select_n3A, %add3A_39] : memref<16x1536xf32, #tpu.memory_space<hbm>> -> memref<1x256xf32, #tpu.memory_space<hbm>>
      %dma_start3A_111 = tpu.memref_squeeze %dma_start3A_110 : memref<1x256xf32, #tpu.memory_space<hbm>> -> memref<256xf32, #tpu.memory_space<hbm>>
      tpu.enqueue_dma source(%dma_start3A_111 : memref<256xf32, #tpu.memory_space<hbm>>) target(%dma_start3A_109 : memref<256xf32, #tpu.memory_space<vmem>>) target_semaphore(%run_scoped3A : memref<!tpu.dma_semaphore, #tpu.memory_space<semaphore_mem>>)
      %dma_wait3A = arith.constant 0 : i32
      %dma_wait3A_112 = tpu.memref_slice %arg9[%dma_wait3A] : memref<768xf32, #tpu.memory_space<vmem>> -> memref<256xf32, #tpu.memory_space<vmem>>
      %dma_wait3A_113 = tpu.memref_slice %arg4[%select_n3A, %add3A_39] : memref<16x1536xf32, #tpu.memory_space<hbm>> -> memref<1x256xf32, #tpu.memory_space<hbm>>
      %dma_wait3A_114 = tpu.memref_squeeze %dma_wait3A_113 : memref<1x256xf32, #tpu.memory_space<hbm>> -> memref<256xf32, #tpu.memory_space<hbm>>
      %dma_wait3A_115 = arith.constant 0 : i32
      %dma_wait3A_116 = tpu.memref_slice %arg9[%dma_wait3A_115] : memref<768xf32, #tpu.memory_space<vmem>> -> memref<256xf32, #tpu.memory_space<vmem>>
      %dma_wait3A_117 = tpu.memref_slice %arg4[%select_n3A, %add3A_39] : memref<16x1536xf32, #tpu.memory_space<hbm>> -> memref<1x256xf32, #tpu.memory_space<hbm>>
      %dma_wait3A_118 = tpu.memref_squeeze %dma_wait3A_117 : memref<1x256xf32, #tpu.memory_space<hbm>> -> memref<256xf32, #tpu.memory_space<hbm>>
      tpu.wait_dma2 semaphore(%run_scoped3A : memref<!tpu.dma_semaphore, #tpu.memory_space<semaphore_mem>>) src(%dma_wait3A_118 : memref<256xf32, #tpu.memory_space<hbm>>) dst(%dma_wait3A_116 : memref<256xf32, #tpu.memory_space<vmem>>)
      tpu.yield
    }) : () -> ()
    %mul3A_40 = arith.constant 256 : i32
    %mul3A_41 = arith.muli %select_n3A_30, %mul3A_40 : i32
    %add3A_42 = arith.constant 512 : i32
    %add3A_43 = arith.addi %add3A_42, %mul3A_41 : i32
    "tpu.region"() ({
      %run_scoped3A = tpu.sem_alloc : memref<!tpu.dma_semaphore, #tpu.memory_space<semaphore_mem>>
      %dma_start3A_104 = arith.constant 256 : i32
      %dma_start3A_105 = tpu.memref_slice %arg9[%dma_start3A_104] : memref<768xf32, #tpu.memory_space<vmem>> -> memref<256xf32, #tpu.memory_space<vmem>>
      %dma_start3A_106 = tpu.memref_slice %arg4[%select_n3A, %add3A_43] : memref<16x1536xf32, #tpu.memory_space<hbm>> -> memref<1x256xf32, #tpu.memory_space<hbm>>
      %dma_start3A_107 = tpu.memref_squeeze %dma_start3A_106 : memref<1x256xf32, #tpu.memory_space<hbm>> -> memref<256xf32, #tpu.memory_space<hbm>>
      %dma_start3A_108 = arith.constant 256 : i32
      %dma_start3A_109 = tpu.memref_slice %arg9[%dma_start3A_108] : memref<768xf32, #tpu.memory_space<vmem>> -> memref<256xf32, #tpu.memory_space<vmem>>
      %dma_start3A_110 = tpu.memref_slice %arg4[%select_n3A, %add3A_43] : memref<16x1536xf32, #tpu.memory_space<hbm>> -> memref<1x256xf32, #tpu.memory_space<hbm>>
      %dma_start3A_111 = tpu.memref_squeeze %dma_start3A_110 : memref<1x256xf32, #tpu.memory_space<hbm>> -> memref<256xf32, #tpu.memory_space<hbm>>
      tpu.enqueue_dma source(%dma_start3A_111 : memref<256xf32, #tpu.memory_space<hbm>>) target(%dma_start3A_109 : memref<256xf32, #tpu.memory_space<vmem>>) target_semaphore(%run_scoped3A : memref<!tpu.dma_semaphore, #tpu.memory_space<semaphore_mem>>)
      %dma_wait3A = arith.constant 256 : i32
      %dma_wait3A_112 = tpu.memref_slice %arg9[%dma_wait3A] : memref<768xf32, #tpu.memory_space<vmem>> -> memref<256xf32, #tpu.memory_space<vmem>>
      %dma_wait3A_113 = tpu.memref_slice %arg4[%select_n3A, %add3A_43] : memref<16x1536xf32, #tpu.memory_space<hbm>> -> memref<1x256xf32, #tpu.memory_space<hbm>>
      %dma_wait3A_114 = tpu.memref_squeeze %dma_wait3A_113 : memref<1x256xf32, #tpu.memory_space<hbm>> -> memref<256xf32, #tpu.memory_space<hbm>>
      %dma_wait3A_115 = arith.constant 256 : i32
      %dma_wait3A_116 = tpu.memref_slice %arg9[%dma_wait3A_115] : memref<768xf32, #tpu.memory_space<vmem>> -> memref<256xf32, #tpu.memory_space<vmem>>
      %dma_wait3A_117 = tpu.memref_slice %arg4[%select_n3A, %add3A_43] : memref<16x1536xf32, #tpu.memory_space<hbm>> -> memref<1x256xf32, #tpu.memory_space<hbm>>
      %dma_wait3A_118 = tpu.memref_squeeze %dma_wait3A_117 : memref<1x256xf32, #tpu.memory_space<hbm>> -> memref<256xf32, #tpu.memory_space<hbm>>
      tpu.wait_dma2 semaphore(%run_scoped3A : memref<!tpu.dma_semaphore, #tpu.memory_space<semaphore_mem>>) src(%dma_wait3A_118 : memref<256xf32, #tpu.memory_space<hbm>>) dst(%dma_wait3A_116 : memref<256xf32, #tpu.memory_space<vmem>>)
      tpu.yield
    }) : () -> ()
    %mul3A_44 = arith.constant 256 : i32
    %mul3A_45 = arith.muli %select_n3A_30, %mul3A_44 : i32
    %add3A_46 = arith.constant 1024 : i32
    %add3A_47 = arith.addi %add3A_46, %mul3A_45 : i32
    "tpu.region"() ({
      %run_scoped3A = tpu.sem_alloc : memref<!tpu.dma_semaphore, #tpu.memory_space<semaphore_mem>>
      %dma_start3A_104 = arith.constant 512 : i32
      %dma_start3A_105 = tpu.memref_slice %arg9[%dma_start3A_104] : memref<768xf32, #tpu.memory_space<vmem>> -> memref<256xf32, #tpu.memory_space<vmem>>
      %dma_start3A_106 = tpu.memref_slice %arg4[%select_n3A, %add3A_47] : memref<16x1536xf32, #tpu.memory_space<hbm>> -> memref<1x256xf32, #tpu.memory_space<hbm>>
      %dma_start3A_107 = tpu.memref_squeeze %dma_start3A_106 : memref<1x256xf32, #tpu.memory_space<hbm>> -> memref<256xf32, #tpu.memory_space<hbm>>
      %dma_start3A_108 = arith.constant 512 : i32
      %dma_start3A_109 = tpu.memref_slice %arg9[%dma_start3A_108] : memref<768xf32, #tpu.memory_space<vmem>> -> memref<256xf32, #tpu.memory_space<vmem>>
      %dma_start3A_110 = tpu.memref_slice %arg4[%select_n3A, %add3A_47] : memref<16x1536xf32, #tpu.memory_space<hbm>> -> memref<1x256xf32, #tpu.memory_space<hbm>>
      %dma_start3A_111 = tpu.memref_squeeze %dma_start3A_110 : memref<1x256xf32, #tpu.memory_space<hbm>> -> memref<256xf32, #tpu.memory_space<hbm>>
      tpu.enqueue_dma source(%dma_start3A_111 : memref<256xf32, #tpu.memory_space<hbm>>) target(%dma_start3A_109 : memref<256xf32, #tpu.memory_space<vmem>>) target_semaphore(%run_scoped3A : memref<!tpu.dma_semaphore, #tpu.memory_space<semaphore_mem>>)
      %dma_wait3A = arith.constant 512 : i32
      %dma_wait3A_112 = tpu.memref_slice %arg9[%dma_wait3A] : memref<768xf32, #tpu.memory_space<vmem>> -> memref<256xf32, #tpu.memory_space<vmem>>
      %dma_wait3A_113 = tpu.memref_slice %arg4[%select_n3A, %add3A_47] : memref<16x1536xf32, #tpu.memory_space<hbm>> -> memref<1x256xf32, #tpu.memory_space<hbm>>
      %dma_wait3A_114 = tpu.memref_squeeze %dma_wait3A_113 : memref<1x256xf32, #tpu.memory_space<hbm>> -> memref<256xf32, #tpu.memory_space<hbm>>
      %dma_wait3A_115 = arith.constant 512 : i32
      %dma_wait3A_116 = tpu.memref_slice %arg9[%dma_wait3A_115] : memref<768xf32, #tpu.memory_space<vmem>> -> memref<256xf32, #tpu.memory_space<vmem>>
      %dma_wait3A_117 = tpu.memref_slice %arg4[%select_n3A, %add3A_47] : memref<16x1536xf32, #tpu.memory_space<hbm>> -> memref<1x256xf32, #tpu.memory_space<hbm>>
      %dma_wait3A_118 = tpu.memref_squeeze %dma_wait3A_117 : memref<1x256xf32, #tpu.memory_space<hbm>> -> memref<256xf32, #tpu.memory_space<hbm>>
      tpu.wait_dma2 semaphore(%run_scoped3A : memref<!tpu.dma_semaphore, #tpu.memory_space<semaphore_mem>>) src(%dma_wait3A_118 : memref<256xf32, #tpu.memory_space<hbm>>) dst(%dma_wait3A_116 : memref<256xf32, #tpu.memory_space<vmem>>)
      tpu.yield
    }) : () -> ()
    %broadcast_in_dim3A = arith.constant 0.000000e+00 : f32
    %broadcast_in_dim3A_48 = vector.broadcast %broadcast_in_dim3A : f32 to vector<16xf32>
    %swap3A = arith.constant 0 : index
    %swap3A_49 = tpu.vector_load %arg12[%swap3A] {strides = array<i32>} : memref<256xf32, #tpu.memory_space<vmem>>, vector<16xf32>,
    tpu.vector_store %arg12[%swap3A], %broadcast_in_dim3A_48 {strides = array<i32>} : memref<256xf32, #tpu.memory_space<vmem>>, vector<16xf32>,
    %swap3A_50 = arith.constant 16 : index
    %swap3A_51 = tpu.vector_load %arg12[%swap3A_50] {strides = array<i32>} : memref<256xf32, #tpu.memory_space<vmem>>, vector<16xf32>,
    tpu.vector_store %arg12[%swap3A_50], %broadcast_in_dim3A_48 {strides = array<i32>} : memref<256xf32, #tpu.memory_space<vmem>>, vector<16xf32>,
    %swap3A_52 = arith.constant 32 : index
    %swap3A_53 = tpu.vector_load %arg12[%swap3A_52] {strides = array<i32>} : memref<256xf32, #tpu.memory_space<vmem>>, vector<16xf32>,
    tpu.vector_store %arg12[%swap3A_52], %broadcast_in_dim3A_48 {strides = array<i32>} : memref<256xf32, #tpu.memory_space<vmem>>, vector<16xf32>,
    %swap3A_54 = arith.constant 48 : index
    %swap3A_55 = tpu.vector_load %arg12[%swap3A_54] {strides = array<i32>} : memref<256xf32, #tpu.memory_space<vmem>>, vector<16xf32>,
    tpu.vector_store %arg12[%swap3A_54], %broadcast_in_dim3A_48 {strides = array<i32>} : memref<256xf32, #tpu.memory_space<vmem>>, vector<16xf32>,
    %swap3A_56 = arith.constant 64 : index
    %swap3A_57 = tpu.vector_load %arg12[%swap3A_56] {strides = array<i32>} : memref<256xf32, #tpu.memory_space<vmem>>, vector<16xf32>,
    tpu.vector_store %arg12[%swap3A_56], %broadcast_in_dim3A_48 {strides = array<i32>} : memref<256xf32, #tpu.memory_space<vmem>>, vector<16xf32>,
    %swap3A_58 = arith.constant 80 : index
    %swap3A_59 = tpu.vector_load %arg12[%swap3A_58] {strides = array<i32>} : memref<256xf32, #tpu.memory_space<vmem>>, vector<16xf32>,
    tpu.vector_store %arg12[%swap3A_58], %broadcast_in_dim3A_48 {strides = array<i32>} : memref<256xf32, #tpu.memory_space<vmem>>, vector<16xf32>,
    %swap3A_60 = arith.constant 96 : index
    %swap3A_61 = tpu.vector_load %arg12[%swap3A_60] {strides = array<i32>} : memref<256xf32, #tpu.memory_space<vmem>>, vector<16xf32>,
    tpu.vector_store %arg12[%swap3A_60], %broadcast_in_dim3A_48 {strides = array<i32>} : memref<256xf32, #tpu.memory_space<vmem>>, vector<16xf32>,
    %swap3A_62 = arith.constant 112 : index
    %swap3A_63 = tpu.vector_load %arg12[%swap3A_62] {strides = array<i32>} : memref<256xf32, #tpu.memory_space<vmem>>, vector<16xf32>,
    tpu.vector_store %arg12[%swap3A_62], %broadcast_in_dim3A_48 {strides = array<i32>} : memref<256xf32, #tpu.memory_space<vmem>>, vector<16xf32>,
    %swap3A_64 = arith.constant 128 : index
    %swap3A_65 = tpu.vector_load %arg12[%swap3A_64] {strides = array<i32>} : memref<256xf32, #tpu.memory_space<vmem>>, vector<16xf32>,
    tpu.vector_store %arg12[%swap3A_64], %broadcast_in_dim3A_48 {strides = array<i32>} : memref<256xf32, #tpu.memory_space<vmem>>, vector<16xf32>,
    %swap3A_66 = arith.constant 144 : index
    %swap3A_67 = tpu.vector_load %arg12[%swap3A_66] {strides = array<i32>} : memref<256xf32, #tpu.memory_space<vmem>>, vector<16xf32>,
    tpu.vector_store %arg12[%swap3A_66], %broadcast_in_dim3A_48 {strides = array<i32>} : memref<256xf32, #tpu.memory_space<vmem>>, vector<16xf32>,
    %swap3A_68 = arith.constant 160 : index
    %swap3A_69 = tpu.vector_load %arg12[%swap3A_68] {strides = array<i32>} : memref<256xf32, #tpu.memory_space<vmem>>, vector<16xf32>,
    tpu.vector_store %arg12[%swap3A_68], %broadcast_in_dim3A_48 {strides = array<i32>} : memref<256xf32, #tpu.memory_space<vmem>>, vector<16xf32>,
    %swap3A_70 = arith.constant 176 : index
    %swap3A_71 = tpu.vector_load %arg12[%swap3A_70] {strides = array<i32>} : memref<256xf32, #tpu.memory_space<vmem>>, vector<16xf32>,
    tpu.vector_store %arg12[%swap3A_70], %broadcast_in_dim3A_48 {strides = array<i32>} : memref<256xf32, #tpu.memory_space<vmem>>, vector<16xf32>,
    %swap3A_72 = arith.constant 192 : index
    %swap3A_73 = tpu.vector_load %arg12[%swap3A_72] {strides = array<i32>} : memref<256xf32, #tpu.memory_space<vmem>>, vector<16xf32>,
    tpu.vector_store %arg12[%swap3A_72], %broadcast_in_dim3A_48 {strides = array<i32>} : memref<256xf32, #tpu.memory_space<vmem>>, vector<16xf32>,
    %swap3A_74 = arith.constant 208 : index
    %swap3A_75 = tpu.vector_load %arg12[%swap3A_74] {strides = array<i32>} : memref<256xf32, #tpu.memory_space<vmem>>, vector<16xf32>,
    tpu.vector_store %arg12[%swap3A_74], %broadcast_in_dim3A_48 {strides = array<i32>} : memref<256xf32, #tpu.memory_space<vmem>>, vector<16xf32>,
    %swap3A_76 = arith.constant 224 : index
    %swap3A_77 = tpu.vector_load %arg12[%swap3A_76] {strides = array<i32>} : memref<256xf32, #tpu.memory_space<vmem>>, vector<16xf32>,
    tpu.vector_store %arg12[%swap3A_76], %broadcast_in_dim3A_48 {strides = array<i32>} : memref<256xf32, #tpu.memory_space<vmem>>, vector<16xf32>,
    %swap3A_78 = arith.constant 240 : index
    %swap3A_79 = tpu.vector_load %arg12[%swap3A_78] {strides = array<i32>} : memref<256xf32, #tpu.memory_space<vmem>>, vector<16xf32>,
    tpu.vector_store %arg12[%swap3A_78], %broadcast_in_dim3A_48 {strides = array<i32>} : memref<256xf32, #tpu.memory_space<vmem>>, vector<16xf32>,
    %iota3A = tpu.iota {dimensions = array<i32: 0>} : vector<16xi32>
    %broadcast_in_dim3A_80 = arith.constant 0 : i32
    %broadcast_in_dim3A_81 = vector.broadcast %broadcast_in_dim3A_80 : i32 to vector<16xi32>
    %dma_start3A = arith.constant 0 : i32
    %dma_start3A_82 = tpu.memref_slice %arg15[%dma_start3A] : memref<4096xf32, #tpu.memory_space<vmem>> -> memref<2048xf32, #tpu.memory_space<vmem>>
    %dma_start3A_83 = arith.constant 0 : i32
    %dma_start3A_84 = tpu.memref_slice %arg2[%add3A_35, %dma_start3A_83] : memref<8192x2048xf32, #tpu.memory_space<hbm>> -> memref<1x2048xf32, #tpu.memory_space<hbm>>
    %dma_start3A_85 = tpu.memref_squeeze %dma_start3A_84 : memref<1x2048xf32, #tpu.memory_space<hbm>> -> memref<2048xf32, #tpu.memory_space<hbm>>
    %dma_start3A_86 = arith.constant 0 : i32
    %dma_start3A_87 = tpu.memref_slice %arg15[%dma_start3A_86] : memref<4096xf32, #tpu.memory_space<vmem>> -> memref<2048xf32, #tpu.memory_space<vmem>>
    %dma_start3A_88 = arith.constant 0 : i32
    %dma_start3A_89 = tpu.memref_slice %arg2[%add3A_35, %dma_start3A_88] : memref<8192x2048xf32, #tpu.memory_space<hbm>> -> memref<1x2048xf32, #tpu.memory_space<hbm>>
    %dma_start3A_90 = tpu.memref_squeeze %dma_start3A_89 : memref<1x2048xf32, #tpu.memory_space<hbm>> -> memref<2048xf32, #tpu.memory_space<hbm>>
    tpu.enqueue_dma source(%dma_start3A_90 : memref<2048xf32, #tpu.memory_space<hbm>>) target(%dma_start3A_87 : memref<2048xf32, #tpu.memory_space<vmem>>) target_semaphore(%arg17 : memref<!tpu.dma_semaphore, #tpu.memory_space<semaphore_mem>>)
    %scan3A = arith.constant 0 : i32
    %scan3A_91 = arith.constant 0 : i32
    %scan3A_92 = arith.constant 128 : i32
    %scan3A_93 = arith.addi %scan3A_91, %scan3A_92 : i32
    %scan3A_94 = arith.constant 1 : i32
    scf.for %scan3A_104 = %scan3A_91 to %scan3A_93 step %scan3A_94  : i32 {
      %mul3A_105 = arith.constant 2 : i32
      %mul3A_106 = arith.muli %mul3A_105, %scan3A_104 : i32
      %add3A_107 = arith.addi %add3A_35, %mul3A_106 : i32
      %dma_wait3A = arith.constant 0 : i32
      %dma_wait3A_108 = tpu.memref_slice %arg15[%dma_wait3A] : memref<4096xf32, #tpu.memory_space<vmem>> -> memref<2048xf32, #tpu.memory_space<vmem>>
      %dma_wait3A_109 = arith.constant 0 : i32
      %dma_wait3A_110 = tpu.memref_slice %arg2[%add3A_107, %dma_wait3A_109] : memref<8192x2048xf32, #tpu.memory_space<hbm>> -> memref<1x2048xf32, #tpu.memory_space<hbm>>
      %dma_wait3A_111 = tpu.memref_squeeze %dma_wait3A_110 : memref<1x2048xf32, #tpu.memory_space<hbm>> -> memref<2048xf32, #tpu.memory_space<hbm>>
      %dma_wait3A_112 = arith.constant 0 : i32
      %dma_wait3A_113 = tpu.memref_slice %arg15[%dma_wait3A_112] : memref<4096xf32, #tpu.memory_space<vmem>> -> memref<2048xf32, #tpu.memory_space<vmem>>
      %dma_wait3A_114 = arith.constant 0 : i32
      %dma_wait3A_115 = tpu.memref_slice %arg2[%add3A_107, %dma_wait3A_114] : memref<8192x2048xf32, #tpu.memory_space<hbm>> -> memref<1x2048xf32, #tpu.memory_space<hbm>>
      %dma_wait3A_116 = tpu.memref_squeeze %dma_wait3A_115 : memref<1x2048xf32, #tpu.memory_space<hbm>> -> memref<2048xf32, #tpu.memory_space<hbm>>
      tpu.wait_dma2 semaphore(%arg17 : memref<!tpu.dma_semaphore, #tpu.memory_space<semaphore_mem>>) src(%dma_wait3A_116 : memref<2048xf32, #tpu.memory_space<hbm>>) dst(%dma_wait3A_113 : memref<2048xf32, #tpu.memory_space<vmem>>)
      %add3A_117 = arith.addi %add3A_35, %mul3A_106 : i32
      %add3A_118 = arith.constant 1 : i32
      %add3A_119 = arith.addi %add3A_117, %add3A_118 : i32
      %dma_start3A_120 = arith.constant 2048 : i32
      %dma_start3A_121 = tpu.memref_slice %arg15[%dma_start3A_120] : memref<4096xf32, #tpu.memory_space<vmem>> -> memref<2048xf32, #tpu.memory_space<vmem>>
      %dma_start3A_122 = arith.constant 0 : i32
      %dma_start3A_123 = tpu.memref_slice %arg2[%add3A_119, %dma_start3A_122] : memref<8192x2048xf32, #tpu.memory_space<hbm>> -> memref<1x2048xf32, #tpu.memory_space<hbm>>
      %dma_start3A_124 = tpu.memref_squeeze %dma_start3A_123 : memref<1x2048xf32, #tpu.memory_space<hbm>> -> memref<2048xf32, #tpu.memory_space<hbm>>
      %dma_start3A_125 = arith.constant 2048 : i32
      %dma_start3A_126 = tpu.memref_slice %arg15[%dma_start3A_125] : memref<4096xf32, #tpu.memory_space<vmem>> -> memref<2048xf32, #tpu.memory_space<vmem>>
      %dma_start3A_127 = arith.constant 0 : i32
      %dma_start3A_128 = tpu.memref_slice %arg2[%add3A_119, %dma_start3A_127] : memref<8192x2048xf32, #tpu.memory_space<hbm>> -> memref<1x2048xf32, #tpu.memory_space<hbm>>
      %dma_start3A_129 = tpu.memref_squeeze %dma_start3A_128 : memref<1x2048xf32, #tpu.memory_space<hbm>> -> memref<2048xf32, #tpu.memory_space<hbm>>
      tpu.enqueue_dma source(%dma_start3A_129 : memref<2048xf32, #tpu.memory_space<hbm>>) target(%dma_start3A_126 : memref<2048xf32, #tpu.memory_space<vmem>>) target_semaphore(%arg18 : memref<!tpu.dma_semaphore, #tpu.memory_space<semaphore_mem>>)
      %broadcast_in_dim3A_130 = vector.broadcast %mul3A_106 : i32 to vector<16xi32>
      %gather3A = tpu.vector_load_idx %arg9[%broadcast_in_dim3A_130] : memref<768xf32, #tpu.memory_space<vmem>>[vector<16xi32>], vector<16xf32>,
      %add3A_131 = arith.constant 256 : i32
      %add3A_132 = vector.broadcast %add3A_131 : i32 to vector<16xi32>
      %add3A_133 = arith.addi %broadcast_in_dim3A_130, %add3A_132 : vector<16xi32>
      %gather3A_134 = tpu.vector_load_idx %arg9[%add3A_133] : memref<768xf32, #tpu.memory_space<vmem>>[vector<16xi32>], vector<16xf32>,
      %add3A_135 = arith.constant 512 : i32
      %add3A_136 = vector.broadcast %add3A_135 : i32 to vector<16xi32>
      %add3A_137 = arith.addi %broadcast_in_dim3A_130, %add3A_136 : vector<16xi32>
      %gather3A_138 = tpu.vector_load_idx %arg9[%add3A_137] : memref<768xf32, #tpu.memory_space<vmem>>[vector<16xi32>], vector<16xf32>,
      %while3A = arith.constant 0 : i32
      %while3A_139 = arith.constant 0 : i32
      %while3A_140:2 = scf.while (%while3A_361 = %while3A, %while3A_362 = %while3A_139) : (i32, i32) -> (i32, i32) {
        %lt3A_363 = arith.constant 32 : i32
        %lt3A_364 = arith.cmpi slt, %while3A_362, %lt3A_363 : i32
        %lt3A_365 = arith.constant 128 : i32
        %lt3A_366 = arith.cmpi slt, %while3A_361, %lt3A_365 : i32
        %and3A_367 = arith.andi %lt3A_364, %lt3A_366 : i1
        scf.condition(%and3A_367) %while3A_361, %while3A_362 : i32, i32
      } do {
      ^bb0(%while3A_361: i32, %while3A_362: i32):
        %add3A_363 = arith.constant 0 : i32
        %add3A_364 = arith.addi %while3A_361, %add3A_363 : i32
        %mul3A_365 = arith.constant 16 : i32
        %mul3A_366 = arith.muli %add3A_364, %mul3A_365 : i32
        %add3A_367 = arith.constant 0 : i32
        %add3A_368 = arith.addi %add3A_367, %mul3A_366 : i32
        %get3A = arith.index_cast %add3A_368 : i32 to index
        %get3A_369 = tpu.vector_load %arg15[%get3A] {strides = array<i32>} : memref<4096xf32, #tpu.memory_space<vmem>>, vector<16xf32>,
        %le3A = arith.constant 4.000000e-02 : f32
        %le3A_370 = vector.broadcast %le3A : f32 to vector<16xf32>
        %le3A_371 = arith.cmpf ole, %get3A_369, %le3A_370 : vector<16xf32>
        %convert_element_type3A_372 = arith.extui %le3A_371 : vector<16xi1> to vector<16xi32>
        %reduce_sum3A = arith.constant true
        %reduce_sum3A_373 = vector.broadcast %reduce_sum3A : i1 to vector<16xi1>
        %reduce_sum3A_374 = tpu.scan <sum>, %convert_element_type3A_372 masked %reduce_sum3A_373 : vector<16xi32>, vector<16xi1> -> vector<16xi32>
        %reduce_sum3A_375 = vector.extract %reduce_sum3A_374[15] : i32 from vector<16xi32>
        %add3A_376 = arith.constant 1 : i32
        %add3A_377 = arith.addi %while3A_361, %add3A_376 : i32
        %mul3A_378 = arith.constant 16 : i32
        %mul3A_379 = arith.muli %add3A_377, %mul3A_378 : i32
        %add3A_380 = arith.constant 0 : i32
        %add3A_381 = arith.addi %add3A_380, %mul3A_379 : i32
        %get3A_382 = arith.index_cast %add3A_381 : i32 to index
        %get3A_383 = tpu.vector_load %arg15[%get3A_382] {strides = array<i32>} : memref<4096xf32, #tpu.memory_space<vmem>>, vector<16xf32>,
        %le3A_384 = arith.constant 4.000000e-02 : f32
        %le3A_385 = vector.broadcast %le3A_384 : f32 to vector<16xf32>
        %le3A_386 = arith.cmpf ole, %get3A_383, %le3A_385 : vector<16xf32>
        %convert_element_type3A_387 = arith.extui %le3A_386 : vector<16xi1> to vector<16xi32>
        %reduce_sum3A_388 = arith.constant true
        %reduce_sum3A_389 = vector.broadcast %reduce_sum3A_388 : i1 to vector<16xi1>
        %reduce_sum3A_390 = tpu.scan <sum>, %convert_element_type3A_387 masked %reduce_sum3A_389 : vector<16xi32>, vector<16xi1> -> vector<16xi32>
        %reduce_sum3A_391 = vector.extract %reduce_sum3A_390[15] : i32 from vector<16xi32>
        %add3A_392 = arith.constant 2 : i32
        %add3A_393 = arith.addi %while3A_361, %add3A_392 : i32
        %mul3A_394 = arith.constant 16 : i32
        %mul3A_395 = arith.muli %add3A_393, %mul3A_394 : i32
        %add3A_396 = arith.constant 0 : i32
        %add3A_397 = arith.addi %add3A_396, %mul3A_395 : i32
        %get3A_398 = arith.index_cast %add3A_397 : i32 to index
        %get3A_399 = tpu.vector_load %arg15[%get3A_398] {strides = array<i32>} : memref<4096xf32, #tpu.memory_space<vmem>>, vector<16xf32>,
        %le3A_400 = arith.constant 4.000000e-02 : f32
        %le3A_401 = vector.broadcast %le3A_400 : f32 to vector<16xf32>
        %le3A_402 = arith.cmpf ole, %get3A_399, %le3A_401 : vector<16xf32>
        %convert_element_type3A_403 = arith.extui %le3A_402 : vector<16xi1> to vector<16xi32>
        %reduce_sum3A_404 = arith.constant true
        %reduce_sum3A_405 = vector.broadcast %reduce_sum3A_404 : i1 to vector<16xi1>
        %reduce_sum3A_406 = tpu.scan <sum>, %convert_element_type3A_403 masked %reduce_sum3A_405 : vector<16xi32>, vector<16xi1> -> vector<16xi32>
        %reduce_sum3A_407 = vector.extract %reduce_sum3A_406[15] : i32 from vector<16xi32>
        %add3A_408 = arith.constant 3 : i32
        %add3A_409 = arith.addi %while3A_361, %add3A_408 : i32
        %mul3A_410 = arith.constant 16 : i32
        %mul3A_411 = arith.muli %add3A_409, %mul3A_410 : i32
        %add3A_412 = arith.constant 0 : i32
        %add3A_413 = arith.addi %add3A_412, %mul3A_411 : i32
        %get3A_414 = arith.index_cast %add3A_413 : i32 to index
        %get3A_415 = tpu.vector_load %arg15[%get3A_414] {strides = array<i32>} : memref<4096xf32, #tpu.memory_space<vmem>>, vector<16xf32>,
        %le3A_416 = arith.constant 4.000000e-02 : f32
        %le3A_417 = vector.broadcast %le3A_416 : f32 to vector<16xf32>
        %le3A_418 = arith.cmpf ole, %get3A_415, %le3A_417 : vector<16xf32>
        %convert_element_type3A_419 = arith.extui %le3A_418 : vector<16xi1> to vector<16xi32>
        %reduce_sum3A_420 = arith.constant true
        %reduce_sum3A_421 = vector.broadcast %reduce_sum3A_420 : i1 to vector<16xi1>
        %reduce_sum3A_422 = tpu.scan <sum>, %convert_element_type3A_419 masked %reduce_sum3A_421 : vector<16xi32>, vector<16xi1> -> vector<16xi32>
        %reduce_sum3A_423 = vector.extract %reduce_sum3A_422[15] : i32 from vector<16xi32>
        %add3A_424 = arith.constant 4 : i32
        %add3A_425 = arith.addi %while3A_361, %add3A_424 : i32
        %mul3A_426 = arith.constant 16 : i32
        %mul3A_427 = arith.muli %add3A_425, %mul3A_426 : i32
        %add3A_428 = arith.constant 0 : i32
        %add3A_429 = arith.addi %add3A_428, %mul3A_427 : i32
        %get3A_430 = arith.index_cast %add3A_429 : i32 to index
        %get3A_431 = tpu.vector_load %arg15[%get3A_430] {strides = array<i32>} : memref<4096xf32, #tpu.memory_space<vmem>>, vector<16xf32>,
        %le3A_432 = arith.constant 4.000000e-02 : f32
        %le3A_433 = vector.broadcast %le3A_432 : f32 to vector<16xf32>
        %le3A_434 = arith.cmpf ole, %get3A_431, %le3A_433 : vector<16xf32>
        %convert_element_type3A_435 = arith.extui %le3A_434 : vector<16xi1> to vector<16xi32>
        %reduce_sum3A_436 = arith.constant true
        %reduce_sum3A_437 = vector.broadcast %reduce_sum3A_436 : i1 to vector<16xi1>
        %reduce_sum3A_438 = tpu.scan <sum>, %convert_element_type3A_435 masked %reduce_sum3A_437 : vector<16xi32>, vector<16xi1> -> vector<16xi32>
        %reduce_sum3A_439 = vector.extract %reduce_sum3A_438[15] : i32 from vector<16xi32>
        %add3A_440 = arith.constant 5 : i32
        %add3A_441 = arith.addi %while3A_361, %add3A_440 : i32
        %mul3A_442 = arith.constant 16 : i32
        %mul3A_443 = arith.muli %add3A_441, %mul3A_442 : i32
        %add3A_444 = arith.constant 0 : i32
        %add3A_445 = arith.addi %add3A_444, %mul3A_443 : i32
        %get3A_446 = arith.index_cast %add3A_445 : i32 to index
        %get3A_447 = tpu.vector_load %arg15[%get3A_446] {strides = array<i32>} : memref<4096xf32, #tpu.memory_space<vmem>>, vector<16xf32>,
        %le3A_448 = arith.constant 4.000000e-02 : f32
        %le3A_449 = vector.broadcast %le3A_448 : f32 to vector<16xf32>
        %le3A_450 = arith.cmpf ole, %get3A_447, %le3A_449 : vector<16xf32>
        %convert_element_type3A_451 = arith.extui %le3A_450 : vector<16xi1> to vector<16xi32>
        %reduce_sum3A_452 = arith.constant true
        %reduce_sum3A_453 = vector.broadcast %reduce_sum3A_452 : i1 to vector<16xi1>
        %reduce_sum3A_454 = tpu.scan <sum>, %convert_element_type3A_451 masked %reduce_sum3A_453 : vector<16xi32>, vector<16xi1> -> vector<16xi32>
        %reduce_sum3A_455 = vector.extract %reduce_sum3A_454[15] : i32 from vector<16xi32>
        %add3A_456 = arith.constant 6 : i32
        %add3A_457 = arith.addi %while3A_361, %add3A_456 : i32
        %mul3A_458 = arith.constant 16 : i32
        %mul3A_459 = arith.muli %add3A_457, %mul3A_458 : i32
        %add3A_460 = arith.constant 0 : i32
        %add3A_461 = arith.addi %add3A_460, %mul3A_459 : i32
        %get3A_462 = arith.index_cast %add3A_461 : i32 to index
        %get3A_463 = tpu.vector_load %arg15[%get3A_462] {strides = array<i32>} : memref<4096xf32, #tpu.memory_space<vmem>>, vector<16xf32>,
        %le3A_464 = arith.constant 4.000000e-02 : f32
        %le3A_465 = vector.broadcast %le3A_464 : f32 to vector<16xf32>
        %le3A_466 = arith.cmpf ole, %get3A_463, %le3A_465 : vector<16xf32>
        %convert_element_type3A_467 = arith.extui %le3A_466 : vector<16xi1> to vector<16xi32>
        %reduce_sum3A_468 = arith.constant true
        %reduce_sum3A_469 = vector.broadcast %reduce_sum3A_468 : i1 to vector<16xi1>
        %reduce_sum3A_470 = tpu.scan <sum>, %convert_element_type3A_467 masked %reduce_sum3A_469 : vector<16xi32>, vector<16xi1> -> vector<16xi32>
        %reduce_sum3A_471 = vector.extract %reduce_sum3A_470[15] : i32 from vector<16xi32>
        %add3A_472 = arith.constant 7 : i32
        %add3A_473 = arith.addi %while3A_361, %add3A_472 : i32
        %mul3A_474 = arith.constant 16 : i32
        %mul3A_475 = arith.muli %add3A_473, %mul3A_474 : i32
        %add3A_476 = arith.constant 0 : i32
        %add3A_477 = arith.addi %add3A_476, %mul3A_475 : i32
        %get3A_478 = arith.index_cast %add3A_477 : i32 to index
        %get3A_479 = tpu.vector_load %arg15[%get3A_478] {strides = array<i32>} : memref<4096xf32, #tpu.memory_space<vmem>>, vector<16xf32>,
        %le3A_480 = arith.constant 4.000000e-02 : f32
        %le3A_481 = vector.broadcast %le3A_480 : f32 to vector<16xf32>
        %le3A_482 = arith.cmpf ole, %get3A_479, %le3A_481 : vector<16xf32>
        %convert_element_type3A_483 = arith.extui %le3A_482 : vector<16xi1> to vector<16xi32>
        %reduce_sum3A_484 = arith.constant true
        %reduce_sum3A_485 = vector.broadcast %reduce_sum3A_484 : i1 to vector<16xi1>
        %reduce_sum3A_486 = tpu.scan <sum>, %convert_element_type3A_483 masked %reduce_sum3A_485 : vector<16xi32>, vector<16xi1> -> vector<16xi32>
        %reduce_sum3A_487 = vector.extract %reduce_sum3A_486[15] : i32 from vector<16xi32>
        %add3A_488 = arith.constant 0 : i32
        %add3A_489 = arith.addi %while3A_361, %add3A_488 : i32
        %mul3A_490 = arith.constant 16 : i32
        %mul3A_491 = arith.muli %add3A_489, %mul3A_490 : i32
        %add3A_492 = vector.broadcast %mul3A_491 : i32 to vector<16xi32>
        %add3A_493 = arith.addi %iota3A, %add3A_492 : vector<16xi32>
        %swap3A_494 = arith.index_cast %while3A_362 : i32 to index
        %swap3A_495 = tpu.vector_load %arg10[%swap3A_494] masked %le3A_371 {strides = array<i32>} : memref<192xi32, #tpu.memory_space<vmem>>, vector<16xi32>, vector<16xi1>
        tpu.vector_store %arg10[%swap3A_494], %add3A_493 masked %le3A_371 {strides = array<i32>} : memref<192xi32, #tpu.memory_space<vmem>>, vector<16xi32>, vector<16xi1>
        %add3A_496 = arith.addi %while3A_362, %reduce_sum3A_375 : i32
        %add3A_497 = arith.constant 1 : i32
        %add3A_498 = arith.addi %while3A_361, %add3A_497 : i32
        %mul3A_499 = arith.constant 16 : i32
        %mul3A_500 = arith.muli %add3A_498, %mul3A_499 : i32
        %add3A_501 = vector.broadcast %mul3A_500 : i32 to vector<16xi32>
        %add3A_502 = arith.addi %iota3A, %add3A_501 : vector<16xi32>
        %swap3A_503 = arith.index_cast %add3A_496 : i32 to index
        %swap3A_504 = tpu.vector_load %arg10[%swap3A_503] masked %le3A_386 {strides = array<i32>} : memref<192xi32, #tpu.memory_space<vmem>>, vector<16xi32>, vector<16xi1>
        tpu.vector_store %arg10[%swap3A_503], %add3A_502 masked %le3A_386 {strides = array<i32>} : memref<192xi32, #tpu.memory_space<vmem>>, vector<16xi32>, vector<16xi1>
        %add3A_505 = arith.addi %add3A_496, %reduce_sum3A_391 : i32
        %add3A_506 = arith.constant 2 : i32
        %add3A_507 = arith.addi %while3A_361, %add3A_506 : i32
        %mul3A_508 = arith.constant 16 : i32
        %mul3A_509 = arith.muli %add3A_507, %mul3A_508 : i32
        %add3A_510 = vector.broadcast %mul3A_509 : i32 to vector<16xi32>
        %add3A_511 = arith.addi %iota3A, %add3A_510 : vector<16xi32>
        %swap3A_512 = arith.index_cast %add3A_505 : i32 to index
        %swap3A_513 = tpu.vector_load %arg10[%swap3A_512] masked %le3A_402 {strides = array<i32>} : memref<192xi32, #tpu.memory_space<vmem>>, vector<16xi32>, vector<16xi1>
        tpu.vector_store %arg10[%swap3A_512], %add3A_511 masked %le3A_402 {strides = array<i32>} : memref<192xi32, #tpu.memory_space<vmem>>, vector<16xi32>, vector<16xi1>
        %add3A_514 = arith.addi %add3A_505, %reduce_sum3A_407 : i32
        %add3A_515 = arith.constant 3 : i32
        %add3A_516 = arith.addi %while3A_361, %add3A_515 : i32
        %mul3A_517 = arith.constant 16 : i32
        %mul3A_518 = arith.muli %add3A_516, %mul3A_517 : i32
        %add3A_519 = vector.broadcast %mul3A_518 : i32 to vector<16xi32>
        %add3A_520 = arith.addi %iota3A, %add3A_519 : vector<16xi32>
        %swap3A_521 = arith.index_cast %add3A_514 : i32 to index
        %swap3A_522 = tpu.vector_load %arg10[%swap3A_521] masked %le3A_418 {strides = array<i32>} : memref<192xi32, #tpu.memory_space<vmem>>, vector<16xi32>, vector<16xi1>
        tpu.vector_store %arg10[%swap3A_521], %add3A_520 masked %le3A_418 {strides = array<i32>} : memref<192xi32, #tpu.memory_space<vmem>>, vector<16xi32>, vector<16xi1>
        %add3A_523 = arith.addi %add3A_514, %reduce_sum3A_423 : i32
        %add3A_524 = arith.constant 4 : i32
        %add3A_525 = arith.addi %while3A_361, %add3A_524 : i32
        %mul3A_526 = arith.constant 16 : i32
        %mul3A_527 = arith.muli %add3A_525, %mul3A_526 : i32
        %add3A_528 = vector.broadcast %mul3A_527 : i32 to vector<16xi32>
        %add3A_529 = arith.addi %iota3A, %add3A_528 : vector<16xi32>
        %swap3A_530 = arith.index_cast %add3A_523 : i32 to index
        %swap3A_531 = tpu.vector_load %arg10[%swap3A_530] masked %le3A_434 {strides = array<i32>} : memref<192xi32, #tpu.memory_space<vmem>>, vector<16xi32>, vector<16xi1>
        tpu.vector_store %arg10[%swap3A_530], %add3A_529 masked %le3A_434 {strides = array<i32>} : memref<192xi32, #tpu.memory_space<vmem>>, vector<16xi32>, vector<16xi1>
        %add3A_532 = arith.addi %add3A_523, %reduce_sum3A_439 : i32
        %add3A_533 = arith.constant 5 : i32
        %add3A_534 = arith.addi %while3A_361, %add3A_533 : i32
        %mul3A_535 = arith.constant 16 : i32
        %mul3A_536 = arith.muli %add3A_534, %mul3A_535 : i32
        %add3A_537 = vector.broadcast %mul3A_536 : i32 to vector<16xi32>
        %add3A_538 = arith.addi %iota3A, %add3A_537 : vector<16xi32>
        %swap3A_539 = arith.index_cast %add3A_532 : i32 to index
        %swap3A_540 = tpu.vector_load %arg10[%swap3A_539] masked %le3A_450 {strides = array<i32>} : memref<192xi32, #tpu.memory_space<vmem>>, vector<16xi32>, vector<16xi1>
        tpu.vector_store %arg10[%swap3A_539], %add3A_538 masked %le3A_450 {strides = array<i32>} : memref<192xi32, #tpu.memory_space<vmem>>, vector<16xi32>, vector<16xi1>
        %add3A_541 = arith.addi %add3A_532, %reduce_sum3A_455 : i32
        %add3A_542 = arith.constant 6 : i32
        %add3A_543 = arith.addi %while3A_361, %add3A_542 : i32
        %mul3A_544 = arith.constant 16 : i32
        %mul3A_545 = arith.muli %add3A_543, %mul3A_544 : i32
        %add3A_546 = vector.broadcast %mul3A_545 : i32 to vector<16xi32>
        %add3A_547 = arith.addi %iota3A, %add3A_546 : vector<16xi32>
        %swap3A_548 = arith.index_cast %add3A_541 : i32 to index
        %swap3A_549 = tpu.vector_load %arg10[%swap3A_548] masked %le3A_466 {strides = array<i32>} : memref<192xi32, #tpu.memory_space<vmem>>, vector<16xi32>, vector<16xi1>
        tpu.vector_store %arg10[%swap3A_548], %add3A_547 masked %le3A_466 {strides = array<i32>} : memref<192xi32, #tpu.memory_space<vmem>>, vector<16xi32>, vector<16xi1>
        %add3A_550 = arith.addi %add3A_541, %reduce_sum3A_471 : i32
        %add3A_551 = arith.constant 7 : i32
        %add3A_552 = arith.addi %while3A_361, %add3A_551 : i32
        %mul3A_553 = arith.constant 16 : i32
        %mul3A_554 = arith.muli %add3A_552, %mul3A_553 : i32
        %add3A_555 = vector.broadcast %mul3A_554 : i32 to vector<16xi32>
        %add3A_556 = arith.addi %iota3A, %add3A_555 : vector<16xi32>
        %swap3A_557 = arith.index_cast %add3A_550 : i32 to index
        %swap3A_558 = tpu.vector_load %arg10[%swap3A_557] masked %le3A_482 {strides = array<i32>} : memref<192xi32, #tpu.memory_space<vmem>>, vector<16xi32>, vector<16xi1>
        tpu.vector_store %arg10[%swap3A_557], %add3A_556 masked %le3A_482 {strides = array<i32>} : memref<192xi32, #tpu.memory_space<vmem>>, vector<16xi32>, vector<16xi1>
        %add3A_559 = arith.addi %add3A_550, %reduce_sum3A_487 : i32
        %add3A_560 = arith.constant 8 : i32
        %add3A_561 = arith.addi %while3A_361, %add3A_560 : i32
        scf.yield %add3A_561, %add3A_559 : i32, i32
      }
      %broadcast_in_dim3A_141 = vector.broadcast %while3A_140#1 : i32 to vector<16xi32>
      %add3A_142 = arith.constant 2047 : i32
      %add3A_143 = vector.broadcast %add3A_142 : i32 to vector<16xi32>
      %add3A_144 = arith.addi %broadcast_in_dim3A_81, %add3A_143 : vector<16xi32>
      %add3A_145 = arith.constant 0 : i32
      %add3A_146 = vector.broadcast %add3A_145 : i32 to vector<16xi32>
      %add3A_147 = arith.addi %iota3A, %add3A_146 : vector<16xi32>
      %lt3A_148 = arith.cmpi slt, %add3A_147, %broadcast_in_dim3A_141 : vector<16xi32>
      %jit3A_149 = arith.constant 0 : i32
      %broadcast_in_dim3A_150 = vector.broadcast %jit3A_149 : i32 to vector<16xi32>
      %select_n3A_151 = arith.select %lt3A_148, %add3A_147, %broadcast_in_dim3A_150 : vector<16xi1>, vector<16xi32>
      %gather3A_152 = tpu.vector_load_idx %arg10[%select_n3A_151] : memref<192xi32, #tpu.memory_space<vmem>>[vector<16xi32>], vector<16xi32>,
      %gt3A = arith.constant 0 : i32
      %gt3A_153 = vector.broadcast %gt3A : i32 to vector<16xi32>
      %gt3A_154 = arith.cmpi sgt, %broadcast_in_dim3A_141, %gt3A_153 : vector<16xi32>
      %select_n3A_155 = arith.select %gt3A_154, %gather3A_152, %add3A_144 : vector<16xi1>, vector<16xi32>
      %gather3A_156 = tpu.vector_load_idx %arg8[%select_n3A_155] : memref<6144xf32, #tpu.memory_space<vmem>>[vector<16xi32>], vector<16xf32>,
      %add3A_157 = arith.constant 2048 : i32
      %add3A_158 = vector.broadcast %add3A_157 : i32 to vector<16xi32>
      %add3A_159 = arith.addi %select_n3A_155, %add3A_158 : vector<16xi32>
      %gather3A_160 = tpu.vector_load_idx %arg8[%add3A_159] : memref<6144xf32, #tpu.memory_space<vmem>>[vector<16xi32>], vector<16xf32>,
      %add3A_161 = arith.constant 4096 : i32
      %add3A_162 = vector.broadcast %add3A_161 : i32 to vector<16xi32>
      %add3A_163 = arith.addi %select_n3A_155, %add3A_162 : vector<16xi32>
      %gather3A_164 = tpu.vector_load_idx %arg8[%add3A_163] : memref<6144xf32, #tpu.memory_space<vmem>>[vector<16xi32>], vector<16xf32>,
      %mul3A_165 = arith.constant 8 : i32
      %mul3A_166 = vector.broadcast %mul3A_165 : i32 to vector<16xi32>
      %mul3A_167 = arith.muli %add3A_147, %mul3A_166 : vector<16xi32>
      %sub3A_168 = arith.subf %gather3A_156, %gather3A : vector<16xf32>
      tpu.vector_store_idx %arg12[%mul3A_167], %sub3A_168 : memref<256xf32, #tpu.memory_space<vmem>>[vector<16xi32>], vector<16xf32>,
      %add3A_169 = arith.constant 1 : i32
      %add3A_170 = vector.broadcast %add3A_169 : i32 to vector<16xi32>
      %add3A_171 = arith.addi %mul3A_167, %add3A_170 : vector<16xi32>
      %sub3A_172 = arith.subf %gather3A_160, %gather3A_134 : vector<16xf32>
      tpu.vector_store_idx %arg12[%add3A_171], %sub3A_172 : memref<256xf32, #tpu.memory_space<vmem>>[vector<16xi32>], vector<16xf32>,
      %add3A_173 = arith.constant 2 : i32
      %add3A_174 = vector.broadcast %add3A_173 : i32 to vector<16xi32>
      %add3A_175 = arith.addi %mul3A_167, %add3A_174 : vector<16xi32>
      %sub3A_176 = arith.subf %gather3A_164, %gather3A_138 : vector<16xf32>
      tpu.vector_store_idx %arg12[%add3A_175], %sub3A_176 : memref<256xf32, #tpu.memory_space<vmem>>[vector<16xi32>], vector<16xf32>,
      %mul3A_177 = arith.constant 2048 : i32
      %mul3A_178 = arith.muli %select_n3A, %mul3A_177 : i32
      %add3A_179 = vector.broadcast %mul3A_178 : i32 to vector<16xi32>
      %add3A_180 = arith.addi %select_n3A_155, %add3A_179 : vector<16xi32>
      %mul3A_181 = arith.constant 32 : i32
      %mul3A_182 = arith.muli %mul3A_106, %mul3A_181 : i32
      %add3A_183 = arith.constant 0 : i32
      %add3A_184 = arith.addi %mul3A_182, %add3A_183 : i32
      %swap3A_185 = arith.index_cast %add3A_184 : i32 to index
      %swap3A_186 = tpu.vector_load %arg11[%swap3A_185] {strides = array<i32>} : memref<8192xi32, #tpu.memory_space<vmem>>, vector<16xi32>,
      tpu.vector_store %arg11[%swap3A_185], %add3A_180 {strides = array<i32>} : memref<8192xi32, #tpu.memory_space<vmem>>, vector<16xi32>,
      %add3A_187 = arith.constant 16 : i32
      %add3A_188 = vector.broadcast %add3A_187 : i32 to vector<16xi32>
      %add3A_189 = arith.addi %iota3A, %add3A_188 : vector<16xi32>
      %lt3A_190 = arith.cmpi slt, %add3A_189, %broadcast_in_dim3A_141 : vector<16xi32>
      %jit3A_191 = arith.constant 0 : i32
      %broadcast_in_dim3A_192 = vector.broadcast %jit3A_191 : i32 to vector<16xi32>
      %select_n3A_193 = arith.select %lt3A_190, %add3A_189, %broadcast_in_dim3A_192 : vector<16xi1>, vector<16xi32>
      %gather3A_194 = tpu.vector_load_idx %arg10[%select_n3A_193] : memref<192xi32, #tpu.memory_space<vmem>>[vector<16xi32>], vector<16xi32>,
      %gt3A_195 = arith.constant 0 : i32
      %gt3A_196 = vector.broadcast %gt3A_195 : i32 to vector<16xi32>
      %gt3A_197 = arith.cmpi sgt, %broadcast_in_dim3A_141, %gt3A_196 : vector<16xi32>
      %select_n3A_198 = arith.select %gt3A_197, %gather3A_194, %add3A_144 : vector<16xi1>, vector<16xi32>
      %gather3A_199 = tpu.vector_load_idx %arg8[%select_n3A_198] : memref<6144xf32, #tpu.memory_space<vmem>>[vector<16xi32>], vector<16xf32>,
      %add3A_200 = arith.constant 2048 : i32
      %add3A_201 = vector.broadcast %add3A_200 : i32 to vector<16xi32>
      %add3A_202 = arith.addi %select_n3A_198, %add3A_201 : vector<16xi32>
      %gather3A_203 = tpu.vector_load_idx %arg8[%add3A_202] : memref<6144xf32, #tpu.memory_space<vmem>>[vector<16xi32>], vector<16xf32>,
      %add3A_204 = arith.constant 4096 : i32
      %add3A_205 = vector.broadcast %add3A_204 : i32 to vector<16xi32>
      %add3A_206 = arith.addi %select_n3A_198, %add3A_205 : vector<16xi32>
      %gather3A_207 = tpu.vector_load_idx %arg8[%add3A_206] : memref<6144xf32, #tpu.memory_space<vmem>>[vector<16xi32>], vector<16xf32>,
      %mul3A_208 = arith.constant 8 : i32
      %mul3A_209 = vector.broadcast %mul3A_208 : i32 to vector<16xi32>
      %mul3A_210 = arith.muli %add3A_189, %mul3A_209 : vector<16xi32>
      %sub3A_211 = arith.subf %gather3A_199, %gather3A : vector<16xf32>
      tpu.vector_store_idx %arg12[%mul3A_210], %sub3A_211 : memref<256xf32, #tpu.memory_space<vmem>>[vector<16xi32>], vector<16xf32>,
      %add3A_212 = arith.constant 1 : i32
      %add3A_213 = vector.broadcast %add3A_212 : i32 to vector<16xi32>
      %add3A_214 = arith.addi %mul3A_210, %add3A_213 : vector<16xi32>
      %sub3A_215 = arith.subf %gather3A_203, %gather3A_134 : vector<16xf32>
      tpu.vector_store_idx %arg12[%add3A_214], %sub3A_215 : memref<256xf32, #tpu.memory_space<vmem>>[vector<16xi32>], vector<16xf32>,
      %add3A_216 = arith.constant 2 : i32
      %add3A_217 = vector.broadcast %add3A_216 : i32 to vector<16xi32>
      %add3A_218 = arith.addi %mul3A_210, %add3A_217 : vector<16xi32>
      %sub3A_219 = arith.subf %gather3A_207, %gather3A_138 : vector<16xf32>
      tpu.vector_store_idx %arg12[%add3A_218], %sub3A_219 : memref<256xf32, #tpu.memory_space<vmem>>[vector<16xi32>], vector<16xf32>,
      %mul3A_220 = arith.constant 2048 : i32
      %mul3A_221 = arith.muli %select_n3A, %mul3A_220 : i32
      %add3A_222 = vector.broadcast %mul3A_221 : i32 to vector<16xi32>
      %add3A_223 = arith.addi %select_n3A_198, %add3A_222 : vector<16xi32>
      %mul3A_224 = arith.constant 32 : i32
      %mul3A_225 = arith.muli %mul3A_106, %mul3A_224 : i32
      %add3A_226 = arith.constant 16 : i32
      %add3A_227 = arith.addi %mul3A_225, %add3A_226 : i32
      %swap3A_228 = arith.index_cast %add3A_227 : i32 to index
      %swap3A_229 = tpu.vector_load %arg11[%swap3A_228] {strides = array<i32>} : memref<8192xi32, #tpu.memory_space<vmem>>, vector<16xi32>,
      tpu.vector_store %arg11[%swap3A_228], %add3A_223 {strides = array<i32>} : memref<8192xi32, #tpu.memory_space<vmem>>, vector<16xi32>,
      %add3A_230 = arith.addi %add3A_35, %mul3A_106 : i32
      %mul3A_231 = arith.constant 32 : i32
      %mul3A_232 = arith.muli %add3A_230, %mul3A_231 : i32
      %mul3A_233 = arith.constant 8 : i32
      %mul3A_234 = arith.muli %mul3A_232, %mul3A_233 : i32
      "tpu.region"() ({
        %run_scoped3A = tpu.sem_alloc : memref<!tpu.dma_semaphore, #tpu.memory_space<semaphore_mem>>
        %dma_start3A_361 = tpu.memref_slice %arg7[%mul3A_234] : memref<2097152xf32, #tpu.memory_space<hbm>> -> memref<256xf32, #tpu.memory_space<hbm>>
        %dma_start3A_362 = tpu.memref_slice %arg7[%mul3A_234] : memref<2097152xf32, #tpu.memory_space<hbm>> -> memref<256xf32, #tpu.memory_space<hbm>>
        tpu.enqueue_dma source(%arg12 : memref<256xf32, #tpu.memory_space<vmem>>) target(%dma_start3A_362 : memref<256xf32, #tpu.memory_space<hbm>>) target_semaphore(%run_scoped3A : memref<!tpu.dma_semaphore, #tpu.memory_space<semaphore_mem>>)
        %dma_wait3A_363 = tpu.memref_slice %arg7[%mul3A_234] : memref<2097152xf32, #tpu.memory_space<hbm>> -> memref<256xf32, #tpu.memory_space<hbm>>
        %dma_wait3A_364 = tpu.memref_slice %arg7[%mul3A_234] : memref<2097152xf32, #tpu.memory_space<hbm>> -> memref<256xf32, #tpu.memory_space<hbm>>
        tpu.wait_dma2 semaphore(%run_scoped3A : memref<!tpu.dma_semaphore, #tpu.memory_space<semaphore_mem>>) src(%arg12 : memref<256xf32, #tpu.memory_space<vmem>>) dst(%dma_wait3A_364 : memref<256xf32, #tpu.memory_space<hbm>>)
        tpu.yield
      }) : () -> ()
      %add3A_235 = arith.constant 1 : i32
      %add3A_236 = arith.addi %mul3A_106, %add3A_235 : i32
      %add3A_237 = arith.addi %add3A_35, %add3A_236 : i32
      %dma_wait3A_238 = arith.constant 2048 : i32
      %dma_wait3A_239 = tpu.memref_slice %arg15[%dma_wait3A_238] : memref<4096xf32, #tpu.memory_space<vmem>> -> memref<2048xf32, #tpu.memory_space<vmem>>
      %dma_wait3A_240 = arith.constant 0 : i32
      %dma_wait3A_241 = tpu.memref_slice %arg2[%add3A_237, %dma_wait3A_240] : memref<8192x2048xf32, #tpu.memory_space<hbm>> -> memref<1x2048xf32, #tpu.memory_space<hbm>>
      %dma_wait3A_242 = tpu.memref_squeeze %dma_wait3A_241 : memref<1x2048xf32, #tpu.memory_space<hbm>> -> memref<2048xf32, #tpu.memory_space<hbm>>
      %dma_wait3A_243 = arith.constant 2048 : i32
      %dma_wait3A_244 = tpu.memref_slice %arg15[%dma_wait3A_243] : memref<4096xf32, #tpu.memory_space<vmem>> -> memref<2048xf32, #tpu.memory_space<vmem>>
      %dma_wait3A_245 = arith.constant 0 : i32
      %dma_wait3A_246 = tpu.memref_slice %arg2[%add3A_237, %dma_wait3A_245] : memref<8192x2048xf32, #tpu.memory_space<hbm>> -> memref<1x2048xf32, #tpu.memory_space<hbm>>
      %dma_wait3A_247 = tpu.memref_squeeze %dma_wait3A_246 : memref<1x2048xf32, #tpu.memory_space<hbm>> -> memref<2048xf32, #tpu.memory_space<hbm>>
      tpu.wait_dma2 semaphore(%arg18 : memref<!tpu.dma_semaphore, #tpu.memory_space<semaphore_mem>>) src(%dma_wait3A_247 : memref<2048xf32, #tpu.memory_space<hbm>>) dst(%dma_wait3A_244 : memref<2048xf32, #tpu.memory_space<vmem>>)
      %add3A_248 = arith.constant 1 : i32
      %add3A_249 = arith.addi %add3A_236, %add3A_248 : i32
      %lt3A_250 = arith.constant 256 : i32
      %lt3A_251 = arith.cmpi slt, %add3A_249, %lt3A_250 : i32
      %convert_element_type3A = arith.extui %lt3A_251 : i1 to i32
      %cond3A = arith.constant 0 : i32
      %cond3A_252 = arith.cmpi ne, %convert_element_type3A, %cond3A : i32
      scf.if %cond3A_252 {
        %add3A_361 = arith.addi %add3A_35, %add3A_236 : i32
        %add3A_362 = arith.constant 1 : i32
        %add3A_363 = arith.addi %add3A_361, %add3A_362 : i32
        %dma_start3A_364 = arith.constant 0 : i32
        %dma_start3A_365 = tpu.memref_slice %arg15[%dma_start3A_364] : memref<4096xf32, #tpu.memory_space<vmem>> -> memref<2048xf32, #tpu.memory_space<vmem>>
        %dma_start3A_366 = arith.constant 0 : i32
        %dma_start3A_367 = tpu.memref_slice %arg2[%add3A_363, %dma_start3A_366] : memref<8192x2048xf32, #tpu.memory_space<hbm>> -> memref<1x2048xf32, #tpu.memory_space<hbm>>
        %dma_start3A_368 = tpu.memref_squeeze %dma_start3A_367 : memref<1x2048xf32, #tpu.memory_space<hbm>> -> memref<2048xf32, #tpu.memory_space<hbm>>
        %dma_start3A_369 = arith.constant 0 : i32
        %dma_start3A_370 = tpu.memref_slice %arg15[%dma_start3A_369] : memref<4096xf32, #tpu.memory_space<vmem>> -> memref<2048xf32, #tpu.memory_space<vmem>>
        %dma_start3A_371 = arith.constant 0 : i32
        %dma_start3A_372 = tpu.memref_slice %arg2[%add3A_363, %dma_start3A_371] : memref<8192x2048xf32, #tpu.memory_space<hbm>> -> memref<1x2048xf32, #tpu.memory_space<hbm>>
        %dma_start3A_373 = tpu.memref_squeeze %dma_start3A_372 : memref<1x2048xf32, #tpu.memory_space<hbm>> -> memref<2048xf32, #tpu.memory_space<hbm>>
        tpu.enqueue_dma source(%dma_start3A_373 : memref<2048xf32, #tpu.memory_space<hbm>>) target(%dma_start3A_370 : memref<2048xf32, #tpu.memory_space<vmem>>) target_semaphore(%arg17 : memref<!tpu.dma_semaphore, #tpu.memory_space<semaphore_mem>>)
      } else {
      }
      %broadcast_in_dim3A_253 = vector.broadcast %add3A_236 : i32 to vector<16xi32>
      %gather3A_254 = tpu.vector_load_idx %arg9[%broadcast_in_dim3A_253] : memref<768xf32, #tpu.memory_space<vmem>>[vector<16xi32>], vector<16xf32>,
      %add3A_255 = arith.constant 256 : i32
      %add3A_256 = vector.broadcast %add3A_255 : i32 to vector<16xi32>
      %add3A_257 = arith.addi %broadcast_in_dim3A_253, %add3A_256 : vector<16xi32>
      %gather3A_258 = tpu.vector_load_idx %arg9[%add3A_257] : memref<768xf32, #tpu.memory_space<vmem>>[vector<16xi32>], vector<16xf32>,
      %add3A_259 = arith.constant 512 : i32
      %add3A_260 = vector.broadcast %add3A_259 : i32 to vector<16xi32>
      %add3A_261 = arith.addi %broadcast_in_dim3A_253, %add3A_260 : vector<16xi32>
      %gather3A_262 = tpu.vector_load_idx %arg9[%add3A_261] : memref<768xf32, #tpu.memory_space<vmem>>[vector<16xi32>], vector<16xf32>,
      %while3A_263 = arith.constant 0 : i32
      %while3A_264 = arith.constant 0 : i32
      %while3A_265:2 = scf.while (%while3A_361 = %while3A_263, %while3A_362 = %while3A_264) : (i32, i32) -> (i32, i32) {
        %lt3A_363 = arith.constant 32 : i32
        %lt3A_364 = arith.cmpi slt, %while3A_362, %lt3A_363 : i32
        %lt3A_365 = arith.constant 128 : i32
        %lt3A_366 = arith.cmpi slt, %while3A_361, %lt3A_365 : i32
        %and3A_367 = arith.andi %lt3A_364, %lt3A_366 : i1
        scf.condition(%and3A_367) %while3A_361, %while3A_362 : i32, i32
      } do {
      ^bb0(%while3A_361: i32, %while3A_362: i32):
        %add3A_363 = arith.constant 0 : i32
        %add3A_364 = arith.addi %while3A_361, %add3A_363 : i32
        %mul3A_365 = arith.constant 16 : i32
        %mul3A_366 = arith.muli %add3A_364, %mul3A_365 : i32
        %add3A_367 = arith.constant 2048 : i32
        %add3A_368 = arith.addi %add3A_367, %mul3A_366 : i32
        %get3A = arith.index_cast %add3A_368 : i32 to index
        %get3A_369 = tpu.vector_load %arg15[%get3A] {strides = array<i32>} : memref<4096xf32, #tpu.memory_space<vmem>>, vector<16xf32>,
        %le3A = arith.constant 4.000000e-02 : f32
        %le3A_370 = vector.broadcast %le3A : f32 to vector<16xf32>
        %le3A_371 = arith.cmpf ole, %get3A_369, %le3A_370 : vector<16xf32>
        %convert_element_type3A_372 = arith.extui %le3A_371 : vector<16xi1> to vector<16xi32>
        %reduce_sum3A = arith.constant true
        %reduce_sum3A_373 = vector.broadcast %reduce_sum3A : i1 to vector<16xi1>
        %reduce_sum3A_374 = tpu.scan <sum>, %convert_element_type3A_372 masked %reduce_sum3A_373 : vector<16xi32>, vector<16xi1> -> vector<16xi32>
        %reduce_sum3A_375 = vector.extract %reduce_sum3A_374[15] : i32 from vector<16xi32>
        %add3A_376 = arith.constant 1 : i32
        %add3A_377 = arith.addi %while3A_361, %add3A_376 : i32
        %mul3A_378 = arith.constant 16 : i32
        %mul3A_379 = arith.muli %add3A_377, %mul3A_378 : i32
        %add3A_380 = arith.constant 2048 : i32
        %add3A_381 = arith.addi %add3A_380, %mul3A_379 : i32
        %get3A_382 = arith.index_cast %add3A_381 : i32 to index
        %get3A_383 = tpu.vector_load %arg15[%get3A_382] {strides = array<i32>} : memref<4096xf32, #tpu.memory_space<vmem>>, vector<16xf32>,
        %le3A_384 = arith.constant 4.000000e-02 : f32
        %le3A_385 = vector.broadcast %le3A_384 : f32 to vector<16xf32>
        %le3A_386 = arith.cmpf ole, %get3A_383, %le3A_385 : vector<16xf32>
        %convert_element_type3A_387 = arith.extui %le3A_386 : vector<16xi1> to vector<16xi32>
        %reduce_sum3A_388 = arith.constant true
        %reduce_sum3A_389 = vector.broadcast %reduce_sum3A_388 : i1 to vector<16xi1>
        %reduce_sum3A_390 = tpu.scan <sum>, %convert_element_type3A_387 masked %reduce_sum3A_389 : vector<16xi32>, vector<16xi1> -> vector<16xi32>
        %reduce_sum3A_391 = vector.extract %reduce_sum3A_390[15] : i32 from vector<16xi32>
        %add3A_392 = arith.constant 2 : i32
        %add3A_393 = arith.addi %while3A_361, %add3A_392 : i32
        %mul3A_394 = arith.constant 16 : i32
        %mul3A_395 = arith.muli %add3A_393, %mul3A_394 : i32
        %add3A_396 = arith.constant 2048 : i32
        %add3A_397 = arith.addi %add3A_396, %mul3A_395 : i32
        %get3A_398 = arith.index_cast %add3A_397 : i32 to index
        %get3A_399 = tpu.vector_load %arg15[%get3A_398] {strides = array<i32>} : memref<4096xf32, #tpu.memory_space<vmem>>, vector<16xf32>,
        %le3A_400 = arith.constant 4.000000e-02 : f32
        %le3A_401 = vector.broadcast %le3A_400 : f32 to vector<16xf32>
        %le3A_402 = arith.cmpf ole, %get3A_399, %le3A_401 : vector<16xf32>
        %convert_element_type3A_403 = arith.extui %le3A_402 : vector<16xi1> to vector<16xi32>
        %reduce_sum3A_404 = arith.constant true
        %reduce_sum3A_405 = vector.broadcast %reduce_sum3A_404 : i1 to vector<16xi1>
        %reduce_sum3A_406 = tpu.scan <sum>, %convert_element_type3A_403 masked %reduce_sum3A_405 : vector<16xi32>, vector<16xi1> -> vector<16xi32>
        %reduce_sum3A_407 = vector.extract %reduce_sum3A_406[15] : i32 from vector<16xi32>
        %add3A_408 = arith.constant 3 : i32
        %add3A_409 = arith.addi %while3A_361, %add3A_408 : i32
        %mul3A_410 = arith.constant 16 : i32
        %mul3A_411 = arith.muli %add3A_409, %mul3A_410 : i32
        %add3A_412 = arith.constant 2048 : i32
        %add3A_413 = arith.addi %add3A_412, %mul3A_411 : i32
        %get3A_414 = arith.index_cast %add3A_413 : i32 to index
        %get3A_415 = tpu.vector_load %arg15[%get3A_414] {strides = array<i32>} : memref<4096xf32, #tpu.memory_space<vmem>>, vector<16xf32>,
        %le3A_416 = arith.constant 4.000000e-02 : f32
        %le3A_417 = vector.broadcast %le3A_416 : f32 to vector<16xf32>
        %le3A_418 = arith.cmpf ole, %get3A_415, %le3A_417 : vector<16xf32>
        %convert_element_type3A_419 = arith.extui %le3A_418 : vector<16xi1> to vector<16xi32>
        %reduce_sum3A_420 = arith.constant true
        %reduce_sum3A_421 = vector.broadcast %reduce_sum3A_420 : i1 to vector<16xi1>
        %reduce_sum3A_422 = tpu.scan <sum>, %convert_element_type3A_419 masked %reduce_sum3A_421 : vector<16xi32>, vector<16xi1> -> vector<16xi32>
        %reduce_sum3A_423 = vector.extract %reduce_sum3A_422[15] : i32 from vector<16xi32>
        %add3A_424 = arith.constant 4 : i32
        %add3A_425 = arith.addi %while3A_361, %add3A_424 : i32
        %mul3A_426 = arith.constant 16 : i32
        %mul3A_427 = arith.muli %add3A_425, %mul3A_426 : i32
        %add3A_428 = arith.constant 2048 : i32
        %add3A_429 = arith.addi %add3A_428, %mul3A_427 : i32
        %get3A_430 = arith.index_cast %add3A_429 : i32 to index
        %get3A_431 = tpu.vector_load %arg15[%get3A_430] {strides = array<i32>} : memref<4096xf32, #tpu.memory_space<vmem>>, vector<16xf32>,
        %le3A_432 = arith.constant 4.000000e-02 : f32
        %le3A_433 = vector.broadcast %le3A_432 : f32 to vector<16xf32>
        %le3A_434 = arith.cmpf ole, %get3A_431, %le3A_433 : vector<16xf32>
        %convert_element_type3A_435 = arith.extui %le3A_434 : vector<16xi1> to vector<16xi32>
        %reduce_sum3A_436 = arith.constant true
        %reduce_sum3A_437 = vector.broadcast %reduce_sum3A_436 : i1 to vector<16xi1>
        %reduce_sum3A_438 = tpu.scan <sum>, %convert_element_type3A_435 masked %reduce_sum3A_437 : vector<16xi32>, vector<16xi1> -> vector<16xi32>
        %reduce_sum3A_439 = vector.extract %reduce_sum3A_438[15] : i32 from vector<16xi32>
        %add3A_440 = arith.constant 5 : i32
        %add3A_441 = arith.addi %while3A_361, %add3A_440 : i32
        %mul3A_442 = arith.constant 16 : i32
        %mul3A_443 = arith.muli %add3A_441, %mul3A_442 : i32
        %add3A_444 = arith.constant 2048 : i32
        %add3A_445 = arith.addi %add3A_444, %mul3A_443 : i32
        %get3A_446 = arith.index_cast %add3A_445 : i32 to index
        %get3A_447 = tpu.vector_load %arg15[%get3A_446] {strides = array<i32>} : memref<4096xf32, #tpu.memory_space<vmem>>, vector<16xf32>,
        %le3A_448 = arith.constant 4.000000e-02 : f32
        %le3A_449 = vector.broadcast %le3A_448 : f32 to vector<16xf32>
        %le3A_450 = arith.cmpf ole, %get3A_447, %le3A_449 : vector<16xf32>
        %convert_element_type3A_451 = arith.extui %le3A_450 : vector<16xi1> to vector<16xi32>
        %reduce_sum3A_452 = arith.constant true
        %reduce_sum3A_453 = vector.broadcast %reduce_sum3A_452 : i1 to vector<16xi1>
        %reduce_sum3A_454 = tpu.scan <sum>, %convert_element_type3A_451 masked %reduce_sum3A_453 : vector<16xi32>, vector<16xi1> -> vector<16xi32>
        %reduce_sum3A_455 = vector.extract %reduce_sum3A_454[15] : i32 from vector<16xi32>
        %add3A_456 = arith.constant 6 : i32
        %add3A_457 = arith.addi %while3A_361, %add3A_456 : i32
        %mul3A_458 = arith.constant 16 : i32
        %mul3A_459 = arith.muli %add3A_457, %mul3A_458 : i32
        %add3A_460 = arith.constant 2048 : i32
        %add3A_461 = arith.addi %add3A_460, %mul3A_459 : i32
        %get3A_462 = arith.index_cast %add3A_461 : i32 to index
        %get3A_463 = tpu.vector_load %arg15[%get3A_462] {strides = array<i32>} : memref<4096xf32, #tpu.memory_space<vmem>>, vector<16xf32>,
        %le3A_464 = arith.constant 4.000000e-02 : f32
        %le3A_465 = vector.broadcast %le3A_464 : f32 to vector<16xf32>
        %le3A_466 = arith.cmpf ole, %get3A_463, %le3A_465 : vector<16xf32>
        %convert_element_type3A_467 = arith.extui %le3A_466 : vector<16xi1> to vector<16xi32>
        %reduce_sum3A_468 = arith.constant true
        %reduce_sum3A_469 = vector.broadcast %reduce_sum3A_468 : i1 to vector<16xi1>
        %reduce_sum3A_470 = tpu.scan <sum>, %convert_element_type3A_467 masked %reduce_sum3A_469 : vector<16xi32>, vector<16xi1> -> vector<16xi32>
        %reduce_sum3A_471 = vector.extract %reduce_sum3A_470[15] : i32 from vector<16xi32>
        %add3A_472 = arith.constant 7 : i32
        %add3A_473 = arith.addi %while3A_361, %add3A_472 : i32
        %mul3A_474 = arith.constant 16 : i32
        %mul3A_475 = arith.muli %add3A_473, %mul3A_474 : i32
        %add3A_476 = arith.constant 2048 : i32
        %add3A_477 = arith.addi %add3A_476, %mul3A_475 : i32
        %get3A_478 = arith.index_cast %add3A_477 : i32 to index
        %get3A_479 = tpu.vector_load %arg15[%get3A_478] {strides = array<i32>} : memref<4096xf32, #tpu.memory_space<vmem>>, vector<16xf32>,
        %le3A_480 = arith.constant 4.000000e-02 : f32
        %le3A_481 = vector.broadcast %le3A_480 : f32 to vector<16xf32>
        %le3A_482 = arith.cmpf ole, %get3A_479, %le3A_481 : vector<16xf32>
        %convert_element_type3A_483 = arith.extui %le3A_482 : vector<16xi1> to vector<16xi32>
        %reduce_sum3A_484 = arith.constant true
        %reduce_sum3A_485 = vector.broadcast %reduce_sum3A_484 : i1 to vector<16xi1>
        %reduce_sum3A_486 = tpu.scan <sum>, %convert_element_type3A_483 masked %reduce_sum3A_485 : vector<16xi32>, vector<16xi1> -> vector<16xi32>
        %reduce_sum3A_487 = vector.extract %reduce_sum3A_486[15] : i32 from vector<16xi32>
        %add3A_488 = arith.constant 0 : i32
        %add3A_489 = arith.addi %while3A_361, %add3A_488 : i32
        %mul3A_490 = arith.constant 16 : i32
        %mul3A_491 = arith.muli %add3A_489, %mul3A_490 : i32
        %add3A_492 = vector.broadcast %mul3A_491 : i32 to vector<16xi32>
        %add3A_493 = arith.addi %iota3A, %add3A_492 : vector<16xi32>
        %swap3A_494 = arith.index_cast %while3A_362 : i32 to index
        %swap3A_495 = tpu.vector_load %arg10[%swap3A_494] masked %le3A_371 {strides = array<i32>} : memref<192xi32, #tpu.memory_space<vmem>>, vector<16xi32>, vector<16xi1>
        tpu.vector_store %arg10[%swap3A_494], %add3A_493 masked %le3A_371 {strides = array<i32>} : memref<192xi32, #tpu.memory_space<vmem>>, vector<16xi32>, vector<16xi1>
        %add3A_496 = arith.addi %while3A_362, %reduce_sum3A_375 : i32
        %add3A_497 = arith.constant 1 : i32
        %add3A_498 = arith.addi %while3A_361, %add3A_497 : i32
        %mul3A_499 = arith.constant 16 : i32
        %mul3A_500 = arith.muli %add3A_498, %mul3A_499 : i32
        %add3A_501 = vector.broadcast %mul3A_500 : i32 to vector<16xi32>
        %add3A_502 = arith.addi %iota3A, %add3A_501 : vector<16xi32>
        %swap3A_503 = arith.index_cast %add3A_496 : i32 to index
        %swap3A_504 = tpu.vector_load %arg10[%swap3A_503] masked %le3A_386 {strides = array<i32>} : memref<192xi32, #tpu.memory_space<vmem>>, vector<16xi32>, vector<16xi1>
        tpu.vector_store %arg10[%swap3A_503], %add3A_502 masked %le3A_386 {strides = array<i32>} : memref<192xi32, #tpu.memory_space<vmem>>, vector<16xi32>, vector<16xi1>
        %add3A_505 = arith.addi %add3A_496, %reduce_sum3A_391 : i32
        %add3A_506 = arith.constant 2 : i32
        %add3A_507 = arith.addi %while3A_361, %add3A_506 : i32
        %mul3A_508 = arith.constant 16 : i32
        %mul3A_509 = arith.muli %add3A_507, %mul3A_508 : i32
        %add3A_510 = vector.broadcast %mul3A_509 : i32 to vector<16xi32>
        %add3A_511 = arith.addi %iota3A, %add3A_510 : vector<16xi32>
        %swap3A_512 = arith.index_cast %add3A_505 : i32 to index
        %swap3A_513 = tpu.vector_load %arg10[%swap3A_512] masked %le3A_402 {strides = array<i32>} : memref<192xi32, #tpu.memory_space<vmem>>, vector<16xi32>, vector<16xi1>
        tpu.vector_store %arg10[%swap3A_512], %add3A_511 masked %le3A_402 {strides = array<i32>} : memref<192xi32, #tpu.memory_space<vmem>>, vector<16xi32>, vector<16xi1>
        %add3A_514 = arith.addi %add3A_505, %reduce_sum3A_407 : i32
        %add3A_515 = arith.constant 3 : i32
        %add3A_516 = arith.addi %while3A_361, %add3A_515 : i32
        %mul3A_517 = arith.constant 16 : i32
        %mul3A_518 = arith.muli %add3A_516, %mul3A_517 : i32
        %add3A_519 = vector.broadcast %mul3A_518 : i32 to vector<16xi32>
        %add3A_520 = arith.addi %iota3A, %add3A_519 : vector<16xi32>
        %swap3A_521 = arith.index_cast %add3A_514 : i32 to index
        %swap3A_522 = tpu.vector_load %arg10[%swap3A_521] masked %le3A_418 {strides = array<i32>} : memref<192xi32, #tpu.memory_space<vmem>>, vector<16xi32>, vector<16xi1>
        tpu.vector_store %arg10[%swap3A_521], %add3A_520 masked %le3A_418 {strides = array<i32>} : memref<192xi32, #tpu.memory_space<vmem>>, vector<16xi32>, vector<16xi1>
        %add3A_523 = arith.addi %add3A_514, %reduce_sum3A_423 : i32
        %add3A_524 = arith.constant 4 : i32
        %add3A_525 = arith.addi %while3A_361, %add3A_524 : i32
        %mul3A_526 = arith.constant 16 : i32
        %mul3A_527 = arith.muli %add3A_525, %mul3A_526 : i32
        %add3A_528 = vector.broadcast %mul3A_527 : i32 to vector<16xi32>
        %add3A_529 = arith.addi %iota3A, %add3A_528 : vector<16xi32>
        %swap3A_530 = arith.index_cast %add3A_523 : i32 to index
        %swap3A_531 = tpu.vector_load %arg10[%swap3A_530] masked %le3A_434 {strides = array<i32>} : memref<192xi32, #tpu.memory_space<vmem>>, vector<16xi32>, vector<16xi1>
        tpu.vector_store %arg10[%swap3A_530], %add3A_529 masked %le3A_434 {strides = array<i32>} : memref<192xi32, #tpu.memory_space<vmem>>, vector<16xi32>, vector<16xi1>
        %add3A_532 = arith.addi %add3A_523, %reduce_sum3A_439 : i32
        %add3A_533 = arith.constant 5 : i32
        %add3A_534 = arith.addi %while3A_361, %add3A_533 : i32
        %mul3A_535 = arith.constant 16 : i32
        %mul3A_536 = arith.muli %add3A_534, %mul3A_535 : i32
        %add3A_537 = vector.broadcast %mul3A_536 : i32 to vector<16xi32>
        %add3A_538 = arith.addi %iota3A, %add3A_537 : vector<16xi32>
        %swap3A_539 = arith.index_cast %add3A_532 : i32 to index
        %swap3A_540 = tpu.vector_load %arg10[%swap3A_539] masked %le3A_450 {strides = array<i32>} : memref<192xi32, #tpu.memory_space<vmem>>, vector<16xi32>, vector<16xi1>
        tpu.vector_store %arg10[%swap3A_539], %add3A_538 masked %le3A_450 {strides = array<i32>} : memref<192xi32, #tpu.memory_space<vmem>>, vector<16xi32>, vector<16xi1>
        %add3A_541 = arith.addi %add3A_532, %reduce_sum3A_455 : i32
        %add3A_542 = arith.constant 6 : i32
        %add3A_543 = arith.addi %while3A_361, %add3A_542 : i32
        %mul3A_544 = arith.constant 16 : i32
        %mul3A_545 = arith.muli %add3A_543, %mul3A_544 : i32
        %add3A_546 = vector.broadcast %mul3A_545 : i32 to vector<16xi32>
        %add3A_547 = arith.addi %iota3A, %add3A_546 : vector<16xi32>
        %swap3A_548 = arith.index_cast %add3A_541 : i32 to index
        %swap3A_549 = tpu.vector_load %arg10[%swap3A_548] masked %le3A_466 {strides = array<i32>} : memref<192xi32, #tpu.memory_space<vmem>>, vector<16xi32>, vector<16xi1>
        tpu.vector_store %arg10[%swap3A_548], %add3A_547 masked %le3A_466 {strides = array<i32>} : memref<192xi32, #tpu.memory_space<vmem>>, vector<16xi32>, vector<16xi1>
        %add3A_550 = arith.addi %add3A_541, %reduce_sum3A_471 : i32
        %add3A_551 = arith.constant 7 : i32
        %add3A_552 = arith.addi %while3A_361, %add3A_551 : i32
        %mul3A_553 = arith.constant 16 : i32
        %mul3A_554 = arith.muli %add3A_552, %mul3A_553 : i32
        %add3A_555 = vector.broadcast %mul3A_554 : i32 to vector<16xi32>
        %add3A_556 = arith.addi %iota3A, %add3A_555 : vector<16xi32>
        %swap3A_557 = arith.index_cast %add3A_550 : i32 to index
        %swap3A_558 = tpu.vector_load %arg10[%swap3A_557] masked %le3A_482 {strides = array<i32>} : memref<192xi32, #tpu.memory_space<vmem>>, vector<16xi32>, vector<16xi1>
        tpu.vector_store %arg10[%swap3A_557], %add3A_556 masked %le3A_482 {strides = array<i32>} : memref<192xi32, #tpu.memory_space<vmem>>, vector<16xi32>, vector<16xi1>
        %add3A_559 = arith.addi %add3A_550, %reduce_sum3A_487 : i32
        %add3A_560 = arith.constant 8 : i32
        %add3A_561 = arith.addi %while3A_361, %add3A_560 : i32
        scf.yield %add3A_561, %add3A_559 : i32, i32
      }
      %broadcast_in_dim3A_266 = vector.broadcast %while3A_265#1 : i32 to vector<16xi32>
      %add3A_267 = arith.constant 2047 : i32
      %add3A_268 = vector.broadcast %add3A_267 : i32 to vector<16xi32>
      %add3A_269 = arith.addi %broadcast_in_dim3A_81, %add3A_268 : vector<16xi32>
      %add3A_270 = arith.constant 0 : i32
      %add3A_271 = vector.broadcast %add3A_270 : i32 to vector<16xi32>
      %add3A_272 = arith.addi %iota3A, %add3A_271 : vector<16xi32>
      %lt3A_273 = arith.cmpi slt, %add3A_272, %broadcast_in_dim3A_266 : vector<16xi32>
      %jit3A_274 = arith.constant 0 : i32
      %broadcast_in_dim3A_275 = vector.broadcast %jit3A_274 : i32 to vector<16xi32>
      %select_n3A_276 = arith.select %lt3A_273, %add3A_272, %broadcast_in_dim3A_275 : vector<16xi1>, vector<16xi32>
      %gather3A_277 = tpu.vector_load_idx %arg10[%select_n3A_276] : memref<192xi32, #tpu.memory_space<vmem>>[vector<16xi32>], vector<16xi32>,
      %gt3A_278 = arith.constant 0 : i32
      %gt3A_279 = vector.broadcast %gt3A_278 : i32 to vector<16xi32>
      %gt3A_280 = arith.cmpi sgt, %broadcast_in_dim3A_266, %gt3A_279 : vector<16xi32>
      %select_n3A_281 = arith.select %gt3A_280, %gather3A_277, %add3A_269 : vector<16xi1>, vector<16xi32>
      %gather3A_282 = tpu.vector_load_idx %arg8[%select_n3A_281] : memref<6144xf32, #tpu.memory_space<vmem>>[vector<16xi32>], vector<16xf32>,
      %add3A_283 = arith.constant 2048 : i32
      %add3A_284 = vector.broadcast %add3A_283 : i32 to vector<16xi32>
      %add3A_285 = arith.addi %select_n3A_281, %add3A_284 : vector<16xi32>
      %gather3A_286 = tpu.vector_load_idx %arg8[%add3A_285] : memref<6144xf32, #tpu.memory_space<vmem>>[vector<16xi32>], vector<16xf32>,
      %add3A_287 = arith.constant 4096 : i32
      %add3A_288 = vector.broadcast %add3A_287 : i32 to vector<16xi32>
      %add3A_289 = arith.addi %select_n3A_281, %add3A_288 : vector<16xi32>
      %gather3A_290 = tpu.vector_load_idx %arg8[%add3A_289] : memref<6144xf32, #tpu.memory_space<vmem>>[vector<16xi32>], vector<16xf32>,
      %mul3A_291 = arith.constant 8 : i32
      %mul3A_292 = vector.broadcast %mul3A_291 : i32 to vector<16xi32>
      %mul3A_293 = arith.muli %add3A_272, %mul3A_292 : vector<16xi32>
      %sub3A_294 = arith.subf %gather3A_282, %gather3A_254 : vector<16xf32>
      tpu.vector_store_idx %arg12[%mul3A_293], %sub3A_294 : memref<256xf32, #tpu.memory_space<vmem>>[vector<16xi32>], vector<16xf32>,
      %add3A_295 = arith.constant 1 : i32
      %add3A_296 = vector.broadcast %add3A_295 : i32 to vector<16xi32>
      %add3A_297 = arith.addi %mul3A_293, %add3A_296 : vector<16xi32>
      %sub3A_298 = arith.subf %gather3A_286, %gather3A_258 : vector<16xf32>
      tpu.vector_store_idx %arg12[%add3A_297], %sub3A_298 : memref<256xf32, #tpu.memory_space<vmem>>[vector<16xi32>], vector<16xf32>,
      %add3A_299 = arith.constant 2 : i32
      %add3A_300 = vector.broadcast %add3A_299 : i32 to vector<16xi32>
      %add3A_301 = arith.addi %mul3A_293, %add3A_300 : vector<16xi32>
      %sub3A_302 = arith.subf %gather3A_290, %gather3A_262 : vector<16xf32>
      tpu.vector_store_idx %arg12[%add3A_301], %sub3A_302 : memref<256xf32, #tpu.memory_space<vmem>>[vector<16xi32>], vector<16xf32>,
      %mul3A_303 = arith.constant 2048 : i32
      %mul3A_304 = arith.muli %select_n3A, %mul3A_303 : i32
      %add3A_305 = vector.broadcast %mul3A_304 : i32 to vector<16xi32>
      %add3A_306 = arith.addi %select_n3A_281, %add3A_305 : vector<16xi32>
      %mul3A_307 = arith.constant 32 : i32
      %mul3A_308 = arith.muli %add3A_236, %mul3A_307 : i32
      %add3A_309 = arith.constant 0 : i32
      %add3A_310 = arith.addi %mul3A_308, %add3A_309 : i32
      %swap3A_311 = arith.index_cast %add3A_310 : i32 to index
      %swap3A_312 = tpu.vector_load %arg11[%swap3A_311] {strides = array<i32>} : memref<8192xi32, #tpu.memory_space<vmem>>, vector<16xi32>,
      tpu.vector_store %arg11[%swap3A_311], %add3A_306 {strides = array<i32>} : memref<8192xi32, #tpu.memory_space<vmem>>, vector<16xi32>,
      %add3A_313 = arith.constant 16 : i32
      %add3A_314 = vector.broadcast %add3A_313 : i32 to vector<16xi32>
      %add3A_315 = arith.addi %iota3A, %add3A_314 : vector<16xi32>
      %lt3A_316 = arith.cmpi slt, %add3A_315, %broadcast_in_dim3A_266 : vector<16xi32>
      %jit3A_317 = arith.constant 0 : i32
      %broadcast_in_dim3A_318 = vector.broadcast %jit3A_317 : i32 to vector<16xi32>
      %select_n3A_319 = arith.select %lt3A_316, %add3A_315, %broadcast_in_dim3A_318 : vector<16xi1>, vector<16xi32>
      %gather3A_320 = tpu.vector_load_idx %arg10[%select_n3A_319] : memref<192xi32, #tpu.memory_space<vmem>>[vector<16xi32>], vector<16xi32>,
      %gt3A_321 = arith.constant 0 : i32
      %gt3A_322 = vector.broadcast %gt3A_321 : i32 to vector<16xi32>
      %gt3A_323 = arith.cmpi sgt, %broadcast_in_dim3A_266, %gt3A_322 : vector<16xi32>
      %select_n3A_324 = arith.select %gt3A_323, %gather3A_320, %add3A_269 : vector<16xi1>, vector<16xi32>
      %gather3A_325 = tpu.vector_load_idx %arg8[%select_n3A_324] : memref<6144xf32, #tpu.memory_space<vmem>>[vector<16xi32>], vector<16xf32>,
      %add3A_326 = arith.constant 2048 : i32
      %add3A_327 = vector.broadcast %add3A_326 : i32 to vector<16xi32>
      %add3A_328 = arith.addi %select_n3A_324, %add3A_327 : vector<16xi32>
      %gather3A_329 = tpu.vector_load_idx %arg8[%add3A_328] : memref<6144xf32, #tpu.memory_space<vmem>>[vector<16xi32>], vector<16xf32>,
      %add3A_330 = arith.constant 4096 : i32
      %add3A_331 = vector.broadcast %add3A_330 : i32 to vector<16xi32>
      %add3A_332 = arith.addi %select_n3A_324, %add3A_331 : vector<16xi32>
      %gather3A_333 = tpu.vector_load_idx %arg8[%add3A_332] : memref<6144xf32, #tpu.memory_space<vmem>>[vector<16xi32>], vector<16xf32>,
      %mul3A_334 = arith.constant 8 : i32
      %mul3A_335 = vector.broadcast %mul3A_334 : i32 to vector<16xi32>
      %mul3A_336 = arith.muli %add3A_315, %mul3A_335 : vector<16xi32>
      %sub3A_337 = arith.subf %gather3A_325, %gather3A_254 : vector<16xf32>
      tpu.vector_store_idx %arg12[%mul3A_336], %sub3A_337 : memref<256xf32, #tpu.memory_space<vmem>>[vector<16xi32>], vector<16xf32>,
      %add3A_338 = arith.constant 1 : i32
      %add3A_339 = vector.broadcast %add3A_338 : i32 to vector<16xi32>
      %add3A_340 = arith.addi %mul3A_336, %add3A_339 : vector<16xi32>
      %sub3A_341 = arith.subf %gather3A_329, %gather3A_258 : vector<16xf32>
      tpu.vector_store_idx %arg12[%add3A_340], %sub3A_341 : memref<256xf32, #tpu.memory_space<vmem>>[vector<16xi32>], vector<16xf32>,
      %add3A_342 = arith.constant 2 : i32
      %add3A_343 = vector.broadcast %add3A_342 : i32 to vector<16xi32>
      %add3A_344 = arith.addi %mul3A_336, %add3A_343 : vector<16xi32>
      %sub3A_345 = arith.subf %gather3A_333, %gather3A_262 : vector<16xf32>
      tpu.vector_store_idx %arg12[%add3A_344], %sub3A_345 : memref<256xf32, #tpu.memory_space<vmem>>[vector<16xi32>], vector<16xf32>,
      %mul3A_346 = arith.constant 2048 : i32
      %mul3A_347 = arith.muli %select_n3A, %mul3A_346 : i32
      %add3A_348 = vector.broadcast %mul3A_347 : i32 to vector<16xi32>
      %add3A_349 = arith.addi %select_n3A_324, %add3A_348 : vector<16xi32>
      %mul3A_350 = arith.constant 32 : i32
      %mul3A_351 = arith.muli %add3A_236, %mul3A_350 : i32
      %add3A_352 = arith.constant 16 : i32
      %add3A_353 = arith.addi %mul3A_351, %add3A_352 : i32
      %swap3A_354 = arith.index_cast %add3A_353 : i32 to index
      %swap3A_355 = tpu.vector_load %arg11[%swap3A_354] {strides = array<i32>} : memref<8192xi32, #tpu.memory_space<vmem>>, vector<16xi32>,
      tpu.vector_store %arg11[%swap3A_354], %add3A_349 {strides = array<i32>} : memref<8192xi32, #tpu.memory_space<vmem>>, vector<16xi32>,
      %add3A_356 = arith.addi %add3A_35, %add3A_236 : i32
      %mul3A_357 = arith.constant 32 : i32
      %mul3A_358 = arith.muli %add3A_356, %mul3A_357 : i32
      %mul3A_359 = arith.constant 8 : i32
      %mul3A_360 = arith.muli %mul3A_358, %mul3A_359 : i32
      "tpu.region"() ({
        %run_scoped3A = tpu.sem_alloc : memref<!tpu.dma_semaphore, #tpu.memory_space<semaphore_mem>>
        %dma_start3A_361 = tpu.memref_slice %arg7[%mul3A_360] : memref<2097152xf32, #tpu.memory_space<hbm>> -> memref<256xf32, #tpu.memory_space<hbm>>
        %dma_start3A_362 = tpu.memref_slice %arg7[%mul3A_360] : memref<2097152xf32, #tpu.memory_space<hbm>> -> memref<256xf32, #tpu.memory_space<hbm>>
        tpu.enqueue_dma source(%arg12 : memref<256xf32, #tpu.memory_space<vmem>>) target(%dma_start3A_362 : memref<256xf32, #tpu.memory_space<hbm>>) target_semaphore(%run_scoped3A : memref<!tpu.dma_semaphore, #tpu.memory_space<semaphore_mem>>)
        %dma_wait3A_363 = tpu.memref_slice %arg7[%mul3A_360] : memref<2097152xf32, #tpu.memory_space<hbm>> -> memref<256xf32, #tpu.memory_space<hbm>>
        %dma_wait3A_364 = tpu.memref_slice %arg7[%mul3A_360] : memref<2097152xf32, #tpu.memory_space<hbm>> -> memref<256xf32, #tpu.memory_space<hbm>>
        tpu.wait_dma2 semaphore(%run_scoped3A : memref<!tpu.dma_semaphore, #tpu.memory_space<semaphore_mem>>) src(%arg12 : memref<256xf32, #tpu.memory_space<vmem>>) dst(%dma_wait3A_364 : memref<256xf32, #tpu.memory_space<hbm>>)
        tpu.yield
      }) : () -> ()
    }
    %scan3A_95 = arith.constant 128 : i32
    %mul3A_96 = arith.constant 32 : i32
    %mul3A_97 = arith.muli %add3A_35, %mul3A_96 : i32
    %scan3A_98 = arith.constant 0 : i32
    %scan3A_99 = arith.constant 0 : i32
    %scan3A_100 = arith.constant 64 : i32
    %scan3A_101 = arith.addi %scan3A_99, %scan3A_100 : i32
    %scan3A_102 = arith.constant 1 : i32
    scf.for %scan3A_104 = %scan3A_99 to %scan3A_101 step %scan3A_102  : i32 {
      %mul3A_105 = arith.constant 128 : i32
      %mul3A_106 = arith.muli %scan3A_104, %mul3A_105 : i32
      %add3A_107 = arith.constant 0 : i32
      %add3A_108 = arith.addi %mul3A_106, %add3A_107 : i32
      %get3A = arith.index_cast %add3A_108 : i32 to index
      %get3A_109 = tpu.vector_load %arg11[%get3A] {strides = array<i32>} : memref<8192xi32, #tpu.memory_space<vmem>>, vector<16xi32>,
      %swap3A_110 = arith.constant 0 : index
      %swap3A_111 = tpu.vector_load %arg14[%swap3A_110] {strides = array<i32>} : memref<128xi32, #tpu.memory_space<vmem>>, vector<16xi32>,
      tpu.vector_store %arg14[%swap3A_110], %get3A_109 {strides = array<i32>} : memref<128xi32, #tpu.memory_space<vmem>>, vector<16xi32>,
      %mul3A_112 = arith.constant 128 : i32
      %mul3A_113 = arith.muli %scan3A_104, %mul3A_112 : i32
      %add3A_114 = arith.constant 16 : i32
      %add3A_115 = arith.addi %mul3A_113, %add3A_114 : i32
      %get3A_116 = arith.index_cast %add3A_115 : i32 to index
      %get3A_117 = tpu.vector_load %arg11[%get3A_116] {strides = array<i32>} : memref<8192xi32, #tpu.memory_space<vmem>>, vector<16xi32>,
      %swap3A_118 = arith.constant 16 : index
      %swap3A_119 = tpu.vector_load %arg14[%swap3A_118] {strides = array<i32>} : memref<128xi32, #tpu.memory_space<vmem>>, vector<16xi32>,
      tpu.vector_store %arg14[%swap3A_118], %get3A_117 {strides = array<i32>} : memref<128xi32, #tpu.memory_space<vmem>>, vector<16xi32>,
      %mul3A_120 = arith.constant 128 : i32
      %mul3A_121 = arith.muli %scan3A_104, %mul3A_120 : i32
      %add3A_122 = arith.constant 32 : i32
      %add3A_123 = arith.addi %mul3A_121, %add3A_122 : i32
      %get3A_124 = arith.index_cast %add3A_123 : i32 to index
      %get3A_125 = tpu.vector_load %arg11[%get3A_124] {strides = array<i32>} : memref<8192xi32, #tpu.memory_space<vmem>>, vector<16xi32>,
      %swap3A_126 = arith.constant 32 : index
      %swap3A_127 = tpu.vector_load %arg14[%swap3A_126] {strides = array<i32>} : memref<128xi32, #tpu.memory_space<vmem>>, vector<16xi32>,
      tpu.vector_store %arg14[%swap3A_126], %get3A_125 {strides = array<i32>} : memref<128xi32, #tpu.memory_space<vmem>>, vector<16xi32>,
      %mul3A_128 = arith.constant 128 : i32
      %mul3A_129 = arith.muli %scan3A_104, %mul3A_128 : i32
      %add3A_130 = arith.constant 48 : i32
      %add3A_131 = arith.addi %mul3A_129, %add3A_130 : i32
      %get3A_132 = arith.index_cast %add3A_131 : i32 to index
      %get3A_133 = tpu.vector_load %arg11[%get3A_132] {strides = array<i32>} : memref<8192xi32, #tpu.memory_space<vmem>>, vector<16xi32>,
      %swap3A_134 = arith.constant 48 : index
      %swap3A_135 = tpu.vector_load %arg14[%swap3A_134] {strides = array<i32>} : memref<128xi32, #tpu.memory_space<vmem>>, vector<16xi32>,
      tpu.vector_store %arg14[%swap3A_134], %get3A_133 {strides = array<i32>} : memref<128xi32, #tpu.memory_space<vmem>>, vector<16xi32>,
      %mul3A_136 = arith.constant 128 : i32
      %mul3A_137 = arith.muli %scan3A_104, %mul3A_136 : i32
      %add3A_138 = arith.constant 64 : i32
      %add3A_139 = arith.addi %mul3A_137, %add3A_138 : i32
      %get3A_140 = arith.index_cast %add3A_139 : i32 to index
      %get3A_141 = tpu.vector_load %arg11[%get3A_140] {strides = array<i32>} : memref<8192xi32, #tpu.memory_space<vmem>>, vector<16xi32>,
      %swap3A_142 = arith.constant 64 : index
      %swap3A_143 = tpu.vector_load %arg14[%swap3A_142] {strides = array<i32>} : memref<128xi32, #tpu.memory_space<vmem>>, vector<16xi32>,
      tpu.vector_store %arg14[%swap3A_142], %get3A_141 {strides = array<i32>} : memref<128xi32, #tpu.memory_space<vmem>>, vector<16xi32>,
      %mul3A_144 = arith.constant 128 : i32
      %mul3A_145 = arith.muli %scan3A_104, %mul3A_144 : i32
      %add3A_146 = arith.constant 80 : i32
      %add3A_147 = arith.addi %mul3A_145, %add3A_146 : i32
      %get3A_148 = arith.index_cast %add3A_147 : i32 to index
      %get3A_149 = tpu.vector_load %arg11[%get3A_148] {strides = array<i32>} : memref<8192xi32, #tpu.memory_space<vmem>>, vector<16xi32>,
      %swap3A_150 = arith.constant 80 : index
      %swap3A_151 = tpu.vector_load %arg14[%swap3A_150] {strides = array<i32>} : memref<128xi32, #tpu.memory_space<vmem>>, vector<16xi32>,
      tpu.vector_store %arg14[%swap3A_150], %get3A_149 {strides = array<i32>} : memref<128xi32, #tpu.memory_space<vmem>>, vector<16xi32>,
      %mul3A_152 = arith.constant 128 : i32
      %mul3A_153 = arith.muli %scan3A_104, %mul3A_152 : i32
      %add3A_154 = arith.constant 96 : i32
      %add3A_155 = arith.addi %mul3A_153, %add3A_154 : i32
      %get3A_156 = arith.index_cast %add3A_155 : i32 to index
      %get3A_157 = tpu.vector_load %arg11[%get3A_156] {strides = array<i32>} : memref<8192xi32, #tpu.memory_space<vmem>>, vector<16xi32>,
      %swap3A_158 = arith.constant 96 : index
      %swap3A_159 = tpu.vector_load %arg14[%swap3A_158] {strides = array<i32>} : memref<128xi32, #tpu.memory_space<vmem>>, vector<16xi32>,
      tpu.vector_store %arg14[%swap3A_158], %get3A_157 {strides = array<i32>} : memref<128xi32, #tpu.memory_space<vmem>>, vector<16xi32>,
      %mul3A_160 = arith.constant 128 : i32
      %mul3A_161 = arith.muli %scan3A_104, %mul3A_160 : i32
      %add3A_162 = arith.constant 112 : i32
      %add3A_163 = arith.addi %mul3A_161, %add3A_162 : i32
      %get3A_164 = arith.index_cast %add3A_163 : i32 to index
      %get3A_165 = tpu.vector_load %arg11[%get3A_164] {strides = array<i32>} : memref<8192xi32, #tpu.memory_space<vmem>>, vector<16xi32>,
      %swap3A_166 = arith.constant 112 : index
      %swap3A_167 = tpu.vector_load %arg14[%swap3A_166] {strides = array<i32>} : memref<128xi32, #tpu.memory_space<vmem>>, vector<16xi32>,
      tpu.vector_store %arg14[%swap3A_166], %get3A_165 {strides = array<i32>} : memref<128xi32, #tpu.memory_space<vmem>>, vector<16xi32>,
      %dma_start3A_168 = arith.constant 0 : i32
      %dma_start3A_169 = arith.constant 0 : i32
      %dma_start3A_170 = tpu.memref_slice %arg5[%dma_start3A_168, %dma_start3A_169] : memref<32768x64xf32, #tpu.memory_space<hbm>> -> memref<32768x64xf32, #tpu.memory_space<hbm>>
      tpu.enqueue_indirect_dma source(%dma_start3A_170 : memref<32768x64xf32, #tpu.memory_space<hbm>>) target(%arg13 : memref<128x64xf32, #tpu.memory_space<vmem>>) offsets(%arg14 : memref<128xi32, #tpu.memory_space<vmem>>) semaphore(%arg16 : memref<!tpu.dma_semaphore, #tpu.memory_space<semaphore_mem>>)
      %dma_wait3A = arith.constant 0 : i32
      %dma_wait3A_171 = arith.constant 0 : i32
      %dma_wait3A_172 = tpu.memref_slice %arg5[%dma_wait3A, %dma_wait3A_171] : memref<32768x64xf32, #tpu.memory_space<hbm>> -> memref<32768x64xf32, #tpu.memory_space<hbm>>
      tpu.wait_indirect_dma semaphore(%arg16 : memref<!tpu.dma_semaphore, #tpu.memory_space<semaphore_mem>>) src(%dma_wait3A_172 : memref<32768x64xf32, #tpu.memory_space<hbm>>) dst(%arg13 : memref<128x64xf32, #tpu.memory_space<vmem>>)
      %mul3A_173 = arith.constant 128 : i32
      %mul3A_174 = arith.muli %scan3A_104, %mul3A_173 : i32
      %add3A_175 = arith.addi %mul3A_97, %mul3A_174 : i32
      "tpu.region"() ({
        %run_scoped3A = tpu.sem_alloc : memref<!tpu.dma_semaphore, #tpu.memory_space<semaphore_mem>>
        %dma_start3A_176 = arith.constant 0 : i32
        %dma_start3A_177 = tpu.memref_slice %arg6[%add3A_175, %dma_start3A_176] : memref<262144x64xf32, #tpu.memory_space<hbm>> -> memref<128x64xf32, #tpu.memory_space<hbm>>
        %dma_start3A_178 = arith.constant 0 : i32
        %dma_start3A_179 = tpu.memref_slice %arg6[%add3A_175, %dma_start3A_178] : memref<262144x64xf32, #tpu.memory_space<hbm>> -> memref<128x64xf32, #tpu.memory_space<hbm>>
        tpu.enqueue_dma source(%arg13 : memref<128x64xf32, #tpu.memory_space<vmem>>) target(%dma_start3A_179 : memref<128x64xf32, #tpu.memory_space<hbm>>) target_semaphore(%run_scoped3A : memref<!tpu.dma_semaphore, #tpu.memory_space<semaphore_mem>>)
        %dma_wait3A_180 = arith.constant 0 : i32
        %dma_wait3A_181 = tpu.memref_slice %arg6[%add3A_175, %dma_wait3A_180] : memref<262144x64xf32, #tpu.memory_space<hbm>> -> memref<128x64xf32, #tpu.memory_space<hbm>>
        %dma_wait3A_182 = arith.constant 0 : i32
        %dma_wait3A_183 = tpu.memref_slice %arg6[%add3A_175, %dma_wait3A_182] : memref<262144x64xf32, #tpu.memory_space<hbm>> -> memref<128x64xf32, #tpu.memory_space<hbm>>
        tpu.wait_dma2 semaphore(%run_scoped3A : memref<!tpu.dma_semaphore, #tpu.memory_space<semaphore_mem>>) src(%arg13 : memref<128x64xf32, #tpu.memory_space<vmem>>) dst(%dma_wait3A_183 : memref<128x64xf32, #tpu.memory_space<hbm>>)
        tpu.yield
      }) : () -> ()
    }
    %scan3A_103 = arith.constant 64 : i32
    return
  }
}

module attributes {stable_mosaic.version = 14 : i64} {
  func.func @_d2_body(%arg0: i32, %arg1: memref<1x512x3xf32, #tpu.memory_space<vmem>>, %arg2: memref<1x2048x3xf32, #tpu.memory_space<vmem>>, %arg3: memref<1x512x2048xf32, #tpu.memory_space<vmem>>) attributes {dimension_semantics = [#tpu.dimension_semantics<arbitrary>], iteration_bounds = array<i64: 16>, scalar_prefetch = 0 : i64, scratch_operands = 0 : i64, tpu.core_type = #tpu.core_type<tc>, window_params = [{transform_indices = @transform_0, window_bounds = array<i64: 1, 512, 3>}, {transform_indices = @transform_1, window_bounds = array<i64: 1, 2048, 3>}, {transform_indices = @transform_2, window_bounds = array<i64: 1, 512, 2048>}]} {
    %get3A = arith.constant 0 : index
    %get3A_0 = arith.constant 0 : index
    %get3A_1 = arith.constant 0 : index
    %get3A_2 = vector.load %arg1[%get3A, %get3A_0, %get3A_1] : memref<1x512x3xf32, #tpu.memory_space<vmem>>, vector<1x512x3xf32>
    %get3A_3 = vector.shape_cast %get3A_2 : vector<1x512x3xf32> to vector<512x3xf32>
    %get3A_4 = arith.constant 0 : index
    %get3A_5 = arith.constant 0 : index
    %get3A_6 = arith.constant 0 : index
    %get3A_7 = vector.load %arg2[%get3A_4, %get3A_5, %get3A_6] : memref<1x2048x3xf32, #tpu.memory_space<vmem>>, vector<1x2048x3xf32>
    %get3A_8 = vector.shape_cast %get3A_7 : vector<1x2048x3xf32> to vector<2048x3xf32>
    %dot_general3A = arith.constant dense<0.000000e+00> : vector<512x2048xf32>
    %dot_general3A_9 = tpu.matmul %get3A_3, %get3A_8, %dot_general3A {dimension_numbers = #tpu.dot_dimension_numbers<[1], [1], [0], [0], [0, 0, 1, 0], [], []>, transpose_lhs_hint = false} : vector<512x3xf32>, vector<2048x3xf32>, vector<512x2048xf32> -> vector<512x2048xf32>
    %mul3A = arith.mulf %get3A_3, %get3A_3 : vector<512x3xf32>
    %mul3A_10 = arith.mulf %get3A_8, %get3A_8 : vector<2048x3xf32>
    %slice3A = vector.extract_strided_slice %mul3A {offsets = [0, 0], sizes = [512, 1], strides = [1, 1]} : vector<512x3xf32> to vector<512x1xf32>
    %slice3A_11 = vector.extract_strided_slice %mul3A {offsets = [0, 1], sizes = [512, 1], strides = [1, 1]} : vector<512x3xf32> to vector<512x1xf32>
    %add3A = arith.addf %slice3A, %slice3A_11 : vector<512x1xf32>
    %slice3A_12 = vector.extract_strided_slice %mul3A {offsets = [0, 2], sizes = [512, 1], strides = [1, 1]} : vector<512x3xf32> to vector<512x1xf32>
    %add3A_13 = arith.addf %add3A, %slice3A_12 : vector<512x1xf32>
    %slice3A_14 = vector.extract_strided_slice %mul3A_10 {offsets = [0, 0], sizes = [2048, 1], strides = [1, 1]} : vector<2048x3xf32> to vector<2048x1xf32>
    %slice3A_15 = vector.extract_strided_slice %mul3A_10 {offsets = [0, 1], sizes = [2048, 1], strides = [1, 1]} : vector<2048x3xf32> to vector<2048x1xf32>
    %add3A_16 = arith.addf %slice3A_14, %slice3A_15 : vector<2048x1xf32>
    %slice3A_17 = vector.extract_strided_slice %mul3A_10 {offsets = [0, 2], sizes = [2048, 1], strides = [1, 1]} : vector<2048x3xf32> to vector<2048x1xf32>
    %add3A_18 = arith.addf %add3A_16, %slice3A_17 : vector<2048x1xf32>
    %transpose3A = tpu.transpose %add3A_18, [1, 0] : vector<2048x1xf32> -> vector<1x2048xf32>
    %add3A_19 = vector.broadcast %add3A_13 : vector<512x1xf32> to vector<512x2048xf32>
    %add3A_20 = vector.broadcast %transpose3A : vector<1x2048xf32> to vector<512x2048xf32>
    %add3A_21 = arith.addf %add3A_19, %add3A_20 : vector<512x2048xf32>
    %mul3A_22 = arith.constant 2.000000e+00 : f32
    %mul3A_23 = vector.broadcast %mul3A_22 : f32 to vector<512x2048xf32>
    %mul3A_24 = arith.mulf %mul3A_23, %dot_general3A_9 : vector<512x2048xf32>
    %sub3A = arith.subf %add3A_21, %mul3A_24 : vector<512x2048xf32>
    %swap3A = arith.constant 0 : index
    %swap3A_25 = arith.constant 0 : index
    %swap3A_26 = arith.constant 0 : index
    %swap3A_27 = vector.load %arg3[%swap3A, %swap3A_25, %swap3A_26] : memref<1x512x2048xf32, #tpu.memory_space<vmem>>, vector<1x512x2048xf32>
    %swap3A_28 = vector.shape_cast %swap3A_27 : vector<1x512x2048xf32> to vector<512x2048xf32>
    %swap3A_29 = vector.shape_cast %sub3A : vector<512x2048xf32> to vector<1x512x2048xf32>
    tpu.vector_store %arg3[%swap3A, %swap3A_25, %swap3A_26], %swap3A_29 {strides = array<i32>} : memref<1x512x2048xf32, #tpu.memory_space<vmem>>, vector<1x512x2048xf32>,
    return
  }
  func.func @transform_0(%arg0: i32) -> (i32, i32, i32) {
    %c0_i32 = arith.constant 0 : i32
    %c0_i32_0 = arith.constant 0 : i32
    %c0_i32_1 = arith.constant 0 : i32
    return %arg0, %c0_i32, %c0_i32_0 : i32, i32, i32
  }
  func.func @transform_1(%arg0: i32) -> (i32, i32, i32) {
    %c0_i32 = arith.constant 0 : i32
    %c0_i32_0 = arith.constant 0 : i32
    %c0_i32_1 = arith.constant 0 : i32
    return %arg0, %c0_i32, %c0_i32_0 : i32, i32, i32
  }
  func.func @transform_2(%arg0: i32) -> (i32, i32, i32) {
    %c0_i32 = arith.constant 0 : i32
    %c0_i32_0 = arith.constant 0 : i32
    %c0_i32_1 = arith.constant 0 : i32
    return %arg0, %c0_i32, %c0_i32_0 : i32, i32, i32
  }
}

module attributes {stable_mosaic.version = 14 : i64} {
  func.func @_pass_a_body(%arg0: i32, %arg1: memref<8192x64xf32, #tpu.memory_space<vmem>>, %arg2: memref<8192x8xf32, #tpu.memory_space<vmem>>, %arg3: memref<64x64xf32, #tpu.memory_space<vmem>>, %arg4: memref<8x64xf32, #tpu.memory_space<vmem>>, %arg5: memref<1x64xf32, #tpu.memory_space<vmem>>, %arg6: memref<8x64xf32, #tpu.memory_space<vmem>>, %arg7: memref<8x64xf32, #tpu.memory_space<vmem>>) attributes {dimension_semantics = [#tpu.dimension_semantics<arbitrary>], iteration_bounds = array<i64: 32>, scalar_prefetch = 0 : i64, scratch_operands = 1 : i64, tpu.core_type = #tpu.core_type<tc>, window_params = [{transform_indices = @transform_0, window_bounds = array<i64: 8192, 64>}, {transform_indices = @transform_1, window_bounds = array<i64: 8192, 8>}, {pipeline_mode = #tpu.pipeline_mode<synchronous>, transform_indices = @transform_2, window_bounds = array<i64: 64, 64>}, {pipeline_mode = #tpu.pipeline_mode<synchronous>, transform_indices = @transform_3, window_bounds = array<i64: 8, 64>}, {pipeline_mode = #tpu.pipeline_mode<synchronous>, transform_indices = @transform_4, window_bounds = array<i64: 1, 64>}, {pipeline_mode = #tpu.pipeline_mode<synchronous>, transform_indices = @transform_5, window_bounds = array<i64: 8, 64>}]} {
    %get3A = arith.constant 0 : index
    %get3A_0 = arith.constant 0 : index
    %get3A_1 = vector.load %arg1[%get3A, %get3A_0] : memref<8192x64xf32, #tpu.memory_space<vmem>>, vector<8192x64xf32>
    %get3A_2 = arith.constant 0 : index
    %get3A_3 = arith.constant 0 : index
    %get3A_4 = vector.load %arg2[%get3A_2, %get3A_3] : memref<8192x8xf32, #tpu.memory_space<vmem>>, vector<8192x8xf32>
    %get3A_5 = arith.constant 0 : index
    %get3A_6 = arith.constant 0 : index
    %get3A_7 = vector.load %arg3[%get3A_5, %get3A_6] : memref<64x64xf32, #tpu.memory_space<vmem>>, vector<64x64xf32>
    %get3A_8 = arith.constant 0 : index
    %get3A_9 = arith.constant 0 : index
    %get3A_10 = vector.load %arg4[%get3A_8, %get3A_9] : memref<8x64xf32, #tpu.memory_space<vmem>>, vector<8x64xf32>
    %get3A_11 = arith.constant 0 : index
    %get3A_12 = arith.constant 0 : index
    %get3A_13 = vector.load %arg5[%get3A_11, %get3A_12] : memref<1x64xf32, #tpu.memory_space<vmem>>, vector<1x64xf32>
    %dot_general3A = arith.constant dense<0.000000e+00> : vector<8192x64xf32>
    %dot_general3A_14 = tpu.matmul %get3A_1, %get3A_7, %dot_general3A {dimension_numbers = #tpu.dot_dimension_numbers<[1], [0], [0], [1], [0, 0, 1, 1], [], []>, transpose_lhs_hint = false} : vector<8192x64xf32>, vector<64x64xf32>, vector<8192x64xf32> -> vector<8192x64xf32>
    %dot_general3A_15 = arith.constant dense<0.000000e+00> : vector<8192x64xf32>
    %dot_general3A_16 = tpu.matmul %get3A_4, %get3A_10, %dot_general3A_15 {dimension_numbers = #tpu.dot_dimension_numbers<[1], [0], [0], [1], [0, 0, 1, 1], [], []>, transpose_lhs_hint = false} : vector<8192x8xf32>, vector<8x64xf32>, vector<8192x64xf32> -> vector<8192x64xf32>
    %add3A = arith.addf %dot_general3A_14, %dot_general3A_16 : vector<8192x64xf32>
    %add3A_17 = vector.broadcast %get3A_13 : vector<1x64xf32> to vector<8192x64xf32>
    %add3A_18 = arith.addf %add3A, %add3A_17 : vector<8192x64xf32>
    %eq3A = arith.constant 0 : i32
    %eq3A_19 = arith.cmpi eq, %arg0, %eq3A : i32
    %convert_element_type3A = arith.extui %eq3A_19 : i1 to i32
    %cond3A = arith.constant 0 : i32
    %cond3A_20 = arith.cmpi ne, %convert_element_type3A, %cond3A : i32
    scf.if %cond3A_20 {
      %broadcast_in_dim3A_43 = arith.constant 0.000000e+00 : f32
      %broadcast_in_dim3A_44 = vector.broadcast %broadcast_in_dim3A_43 : f32 to vector<8x64xf32>
      %swap3A_45 = arith.constant 0 : index
      %swap3A_46 = arith.constant 0 : index
      %swap3A_47 = vector.load %arg7[%swap3A_45, %swap3A_46] : memref<8x64xf32, #tpu.memory_space<vmem>>, vector<8x64xf32>
      tpu.vector_store %arg7[%swap3A_45, %swap3A_46], %broadcast_in_dim3A_44 {strides = array<i32>} : memref<8x64xf32, #tpu.memory_space<vmem>>, vector<8x64xf32>,
    } else {
    }
    %get3A_21 = arith.constant 0 : index
    %get3A_22 = arith.constant 0 : index
    %get3A_23 = vector.load %arg7[%get3A_21, %get3A_22] : memref<8x64xf32, #tpu.memory_space<vmem>>, vector<1x64xf32>
    %reduce_sum3A = arith.constant dense<0.000000e+00> : vector<64xf32>
    %reduce_sum3A_24 = vector.multi_reduction <add>, %add3A_18, %reduce_sum3A [0] : vector<8192x64xf32> to vector<64xf32>
    %broadcast_in_dim3A = vector.shape_cast %reduce_sum3A_24 : vector<64xf32> to vector<1x64xf32>
    %add3A_25 = arith.addf %get3A_23, %broadcast_in_dim3A : vector<1x64xf32>
    %swap3A = arith.constant 0 : index
    %swap3A_26 = arith.constant 0 : index
    %swap3A_27 = vector.load %arg7[%swap3A, %swap3A_26] : memref<8x64xf32, #tpu.memory_space<vmem>>, vector<1x64xf32>
    tpu.vector_store %arg7[%swap3A, %swap3A_26], %add3A_25 {strides = array<i32>} : memref<8x64xf32, #tpu.memory_space<vmem>>, vector<1x64xf32>,
    %get3A_28 = arith.constant 1 : index
    %get3A_29 = arith.constant 0 : index
    %get3A_30 = vector.load %arg7[%get3A_28, %get3A_29] : memref<8x64xf32, #tpu.memory_space<vmem>>, vector<1x64xf32>
    %mul3A = arith.mulf %add3A_18, %add3A_18 : vector<8192x64xf32>
    %reduce_sum3A_31 = arith.constant dense<0.000000e+00> : vector<64xf32>
    %reduce_sum3A_32 = vector.multi_reduction <add>, %mul3A, %reduce_sum3A_31 [0] : vector<8192x64xf32> to vector<64xf32>
    %broadcast_in_dim3A_33 = vector.shape_cast %reduce_sum3A_32 : vector<64xf32> to vector<1x64xf32>
    %add3A_34 = arith.addf %get3A_30, %broadcast_in_dim3A_33 : vector<1x64xf32>
    %swap3A_35 = arith.constant 1 : index
    %swap3A_36 = arith.constant 0 : index
    %swap3A_37 = vector.load %arg7[%swap3A_35, %swap3A_36] : memref<8x64xf32, #tpu.memory_space<vmem>>, vector<1x64xf32>
    tpu.vector_store %arg7[%swap3A_35, %swap3A_36], %add3A_34 {strides = array<i32>} : memref<8x64xf32, #tpu.memory_space<vmem>>, vector<1x64xf32>,
    %eq3A_38 = arith.constant 31 : i32
    %eq3A_39 = arith.cmpi eq, %arg0, %eq3A_38 : i32
    %convert_element_type3A_40 = arith.extui %eq3A_39 : i1 to i32
    %cond3A_41 = arith.constant 0 : i32
    %cond3A_42 = arith.cmpi ne, %convert_element_type3A_40, %cond3A_41 : i32
    scf.if %cond3A_42 {
      %get3A_43 = arith.constant 0 : index
      %get3A_44 = arith.constant 0 : index
      %get3A_45 = vector.load %arg7[%get3A_43, %get3A_44] : memref<8x64xf32, #tpu.memory_space<vmem>>, vector<8x64xf32>
      %swap3A_46 = arith.constant 0 : index
      %swap3A_47 = arith.constant 0 : index
      %swap3A_48 = vector.load %arg6[%swap3A_46, %swap3A_47] : memref<8x64xf32, #tpu.memory_space<vmem>>, vector<8x64xf32>
      tpu.vector_store %arg6[%swap3A_46, %swap3A_47], %get3A_45 {strides = array<i32>} : memref<8x64xf32, #tpu.memory_space<vmem>>, vector<8x64xf32>,
    } else {
    }
    return
  }
  func.func @transform_0(%arg0: i32) -> (i32, i32) {
    %c0_i32 = arith.constant 0 : i32
    %c0_i32_0 = arith.constant 0 : i32
    return %arg0, %c0_i32 : i32, i32
  }
  func.func @transform_1(%arg0: i32) -> (i32, i32) {
    %c0_i32 = arith.constant 0 : i32
    %c0_i32_0 = arith.constant 0 : i32
    return %arg0, %c0_i32 : i32, i32
  }
  func.func @transform_2(%arg0: i32) -> (i32, i32) {
    %c0_i32 = arith.constant 0 : i32
    %c0_i32_0 = arith.constant 0 : i32
    %c0_i32_1 = arith.constant 0 : i32
    return %c0_i32, %c0_i32_0 : i32, i32
  }
  func.func @transform_3(%arg0: i32) -> (i32, i32) {
    %c0_i32 = arith.constant 0 : i32
    %c0_i32_0 = arith.constant 0 : i32
    %c0_i32_1 = arith.constant 0 : i32
    return %c0_i32, %c0_i32_0 : i32, i32
  }
  func.func @transform_4(%arg0: i32) -> (i32, i32) {
    %c0_i32 = arith.constant 0 : i32
    %c0_i32_0 = arith.constant 0 : i32
    %c0_i32_1 = arith.constant 0 : i32
    return %c0_i32, %c0_i32_0 : i32, i32
  }
  func.func @transform_5(%arg0: i32) -> (i32, i32) {
    %c0_i32 = arith.constant 0 : i32
    %c0_i32_0 = arith.constant 0 : i32
    %c0_i32_1 = arith.constant 0 : i32
    return %c0_i32, %c0_i32_0 : i32, i32
  }
}

module attributes {stable_mosaic.version = 14 : i64} {
  func.func @_pass_b_body(%arg0: i32, %arg1: memref<8192x64xf32, #tpu.memory_space<vmem>>, %arg2: memref<8192x8xf32, #tpu.memory_space<vmem>>, %arg3: memref<64x64xf32, #tpu.memory_space<vmem>>, %arg4: memref<8x64xf32, #tpu.memory_space<vmem>>, %arg5: memref<1x64xf32, #tpu.memory_space<vmem>>, %arg6: memref<1x64xf32, #tpu.memory_space<vmem>>, %arg7: memref<1x64xf32, #tpu.memory_space<vmem>>, %arg8: memref<64x128xf32, #tpu.memory_space<vmem>>, %arg9: memref<1x128xf32, #tpu.memory_space<vmem>>, %arg10: memref<8x128xf32, #tpu.memory_space<vmem>>, %arg11: memref<8x128xf32, #tpu.memory_space<vmem>>) attributes {dimension_semantics = [#tpu.dimension_semantics<arbitrary>], iteration_bounds = array<i64: 32>, scalar_prefetch = 0 : i64, scratch_operands = 1 : i64, tpu.core_type = #tpu.core_type<tc>, window_params = [{transform_indices = @transform_0, window_bounds = array<i64: 8192, 64>}, {transform_indices = @transform_1, window_bounds = array<i64: 8192, 8>}, {pipeline_mode = #tpu.pipeline_mode<synchronous>, transform_indices = @transform_2, window_bounds = array<i64: 64, 64>}, {pipeline_mode = #tpu.pipeline_mode<synchronous>, transform_indices = @transform_3, window_bounds = array<i64: 8, 64>}, {pipeline_mode = #tpu.pipeline_mode<synchronous>, transform_indices = @transform_4, window_bounds = array<i64: 1, 64>}, {pipeline_mode = #tpu.pipeline_mode<synchronous>, transform_indices = @transform_5, window_bounds = array<i64: 1, 64>}, {pipeline_mode = #tpu.pipeline_mode<synchronous>, transform_indices = @transform_6, window_bounds = array<i64: 1, 64>}, {pipeline_mode = #tpu.pipeline_mode<synchronous>, transform_indices = @transform_7, window_bounds = array<i64: 64, 128>}, {pipeline_mode = #tpu.pipeline_mode<synchronous>, transform_indices = @transform_8, window_bounds = array<i64: 1, 128>}, {pipeline_mode = #tpu.pipeline_mode<synchronous>, transform_indices = @transform_9, window_bounds = array<i64: 8, 128>}]} {
    %get3A = arith.constant 0 : index
    %get3A_0 = arith.constant 0 : index
    %get3A_1 = vector.load %arg1[%get3A, %get3A_0] : memref<8192x64xf32, #tpu.memory_space<vmem>>, vector<8192x64xf32>
    %get3A_2 = arith.constant 0 : index
    %get3A_3 = arith.constant 0 : index
    %get3A_4 = vector.load %arg2[%get3A_2, %get3A_3] : memref<8192x8xf32, #tpu.memory_space<vmem>>, vector<8192x8xf32>
    %get3A_5 = arith.constant 0 : index
    %get3A_6 = arith.constant 0 : index
    %get3A_7 = vector.load %arg3[%get3A_5, %get3A_6] : memref<64x64xf32, #tpu.memory_space<vmem>>, vector<64x64xf32>
    %get3A_8 = arith.constant 0 : index
    %get3A_9 = arith.constant 0 : index
    %get3A_10 = vector.load %arg4[%get3A_8, %get3A_9] : memref<8x64xf32, #tpu.memory_space<vmem>>, vector<8x64xf32>
    %get3A_11 = arith.constant 0 : index
    %get3A_12 = arith.constant 0 : index
    %get3A_13 = vector.load %arg5[%get3A_11, %get3A_12] : memref<1x64xf32, #tpu.memory_space<vmem>>, vector<1x64xf32>
    %dot_general3A = arith.constant dense<0.000000e+00> : vector<8192x64xf32>
    %dot_general3A_14 = tpu.matmul %get3A_1, %get3A_7, %dot_general3A {dimension_numbers = #tpu.dot_dimension_numbers<[1], [0], [0], [1], [0, 0, 1, 1], [], []>, transpose_lhs_hint = false} : vector<8192x64xf32>, vector<64x64xf32>, vector<8192x64xf32> -> vector<8192x64xf32>
    %dot_general3A_15 = arith.constant dense<0.000000e+00> : vector<8192x64xf32>
    %dot_general3A_16 = tpu.matmul %get3A_4, %get3A_10, %dot_general3A_15 {dimension_numbers = #tpu.dot_dimension_numbers<[1], [0], [0], [1], [0, 0, 1, 1], [], []>, transpose_lhs_hint = false} : vector<8192x8xf32>, vector<8x64xf32>, vector<8192x64xf32> -> vector<8192x64xf32>
    %add3A = arith.addf %dot_general3A_14, %dot_general3A_16 : vector<8192x64xf32>
    %add3A_17 = vector.broadcast %get3A_13 : vector<1x64xf32> to vector<8192x64xf32>
    %add3A_18 = arith.addf %add3A, %add3A_17 : vector<8192x64xf32>
    %get3A_19 = arith.constant 0 : index
    %get3A_20 = arith.constant 0 : index
    %get3A_21 = vector.load %arg6[%get3A_19, %get3A_20] : memref<1x64xf32, #tpu.memory_space<vmem>>, vector<1x64xf32>
    %mul3A = vector.broadcast %get3A_21 : vector<1x64xf32> to vector<8192x64xf32>
    %mul3A_22 = arith.mulf %add3A_18, %mul3A : vector<8192x64xf32>
    %get3A_23 = arith.constant 0 : index
    %get3A_24 = arith.constant 0 : index
    %get3A_25 = vector.load %arg7[%get3A_23, %get3A_24] : memref<1x64xf32, #tpu.memory_space<vmem>>, vector<1x64xf32>
    %add3A_26 = vector.broadcast %get3A_25 : vector<1x64xf32> to vector<8192x64xf32>
    %add3A_27 = arith.addf %mul3A_22, %add3A_26 : vector<8192x64xf32>
    %max3A = arith.constant 0.000000e+00 : f32
    %max3A_28 = vector.broadcast %max3A : f32 to vector<8192x64xf32>
    %max3A_29 = arith.maximumf %add3A_27, %max3A_28 : vector<8192x64xf32>
    %get3A_30 = arith.constant 0 : index
    %get3A_31 = arith.constant 0 : index
    %get3A_32 = vector.load %arg8[%get3A_30, %get3A_31] : memref<64x128xf32, #tpu.memory_space<vmem>>, vector<64x128xf32>
    %dot_general3A_33 = arith.constant dense<0.000000e+00> : vector<8192x128xf32>
    %dot_general3A_34 = tpu.matmul %max3A_29, %get3A_32, %dot_general3A_33 {dimension_numbers = #tpu.dot_dimension_numbers<[1], [0], [0], [1], [0, 0, 1, 1], [], []>, transpose_lhs_hint = false} : vector<8192x64xf32>, vector<64x128xf32>, vector<8192x128xf32> -> vector<8192x128xf32>
    %get3A_35 = arith.constant 0 : index
    %get3A_36 = arith.constant 0 : index
    %get3A_37 = vector.load %arg9[%get3A_35, %get3A_36] : memref<1x128xf32, #tpu.memory_space<vmem>>, vector<1x128xf32>
    %add3A_38 = vector.broadcast %get3A_37 : vector<1x128xf32> to vector<8192x128xf32>
    %add3A_39 = arith.addf %dot_general3A_34, %add3A_38 : vector<8192x128xf32>
    %eq3A = arith.constant 0 : i32
    %eq3A_40 = arith.cmpi eq, %arg0, %eq3A : i32
    %convert_element_type3A = arith.extui %eq3A_40 : i1 to i32
    %cond3A = arith.constant 0 : i32
    %cond3A_41 = arith.cmpi ne, %convert_element_type3A, %cond3A : i32
    scf.if %cond3A_41 {
      %broadcast_in_dim3A_65 = arith.constant 0.000000e+00 : f32
      %broadcast_in_dim3A_66 = vector.broadcast %broadcast_in_dim3A_65 : f32 to vector<8x128xf32>
      %swap3A_67 = arith.constant 0 : index
      %swap3A_68 = arith.constant 0 : index
      %swap3A_69 = vector.load %arg11[%swap3A_67, %swap3A_68] : memref<8x128xf32, #tpu.memory_space<vmem>>, vector<8x128xf32>
      tpu.vector_store %arg11[%swap3A_67, %swap3A_68], %broadcast_in_dim3A_66 {strides = array<i32>} : memref<8x128xf32, #tpu.memory_space<vmem>>, vector<8x128xf32>,
    } else {
    }
    %get3A_42 = arith.constant 0 : index
    %get3A_43 = arith.constant 0 : index
    %get3A_44 = vector.load %arg11[%get3A_42, %get3A_43] : memref<8x128xf32, #tpu.memory_space<vmem>>, vector<1x128xf32>
    %reduce_sum3A = arith.constant dense<0.000000e+00> : vector<128xf32>
    %reduce_sum3A_45 = vector.multi_reduction <add>, %add3A_39, %reduce_sum3A [0] : vector<8192x128xf32> to vector<128xf32>
    %broadcast_in_dim3A = vector.shape_cast %reduce_sum3A_45 : vector<128xf32> to vector<1x128xf32>
    %add3A_46 = arith.addf %get3A_44, %broadcast_in_dim3A : vector<1x128xf32>
    %swap3A = arith.constant 0 : index
    %swap3A_47 = arith.constant 0 : index
    %swap3A_48 = vector.load %arg11[%swap3A, %swap3A_47] : memref<8x128xf32, #tpu.memory_space<vmem>>, vector<1x128xf32>
    tpu.vector_store %arg11[%swap3A, %swap3A_47], %add3A_46 {strides = array<i32>} : memref<8x128xf32, #tpu.memory_space<vmem>>, vector<1x128xf32>,
    %get3A_49 = arith.constant 1 : index
    %get3A_50 = arith.constant 0 : index
    %get3A_51 = vector.load %arg11[%get3A_49, %get3A_50] : memref<8x128xf32, #tpu.memory_space<vmem>>, vector<1x128xf32>
    %mul3A_52 = arith.mulf %add3A_39, %add3A_39 : vector<8192x128xf32>
    %reduce_sum3A_53 = arith.constant dense<0.000000e+00> : vector<128xf32>
    %reduce_sum3A_54 = vector.multi_reduction <add>, %mul3A_52, %reduce_sum3A_53 [0] : vector<8192x128xf32> to vector<128xf32>
    %broadcast_in_dim3A_55 = vector.shape_cast %reduce_sum3A_54 : vector<128xf32> to vector<1x128xf32>
    %add3A_56 = arith.addf %get3A_51, %broadcast_in_dim3A_55 : vector<1x128xf32>
    %swap3A_57 = arith.constant 1 : index
    %swap3A_58 = arith.constant 0 : index
    %swap3A_59 = vector.load %arg11[%swap3A_57, %swap3A_58] : memref<8x128xf32, #tpu.memory_space<vmem>>, vector<1x128xf32>
    tpu.vector_store %arg11[%swap3A_57, %swap3A_58], %add3A_56 {strides = array<i32>} : memref<8x128xf32, #tpu.memory_space<vmem>>, vector<1x128xf32>,
    %eq3A_60 = arith.constant 31 : i32
    %eq3A_61 = arith.cmpi eq, %arg0, %eq3A_60 : i32
    %convert_element_type3A_62 = arith.extui %eq3A_61 : i1 to i32
    %cond3A_63 = arith.constant 0 : i32
    %cond3A_64 = arith.cmpi ne, %convert_element_type3A_62, %cond3A_63 : i32
    scf.if %cond3A_64 {
      %get3A_65 = arith.constant 0 : index
      %get3A_66 = arith.constant 0 : index
      %get3A_67 = vector.load %arg11[%get3A_65, %get3A_66] : memref<8x128xf32, #tpu.memory_space<vmem>>, vector<8x128xf32>
      %swap3A_68 = arith.constant 0 : index
      %swap3A_69 = arith.constant 0 : index
      %swap3A_70 = vector.load %arg10[%swap3A_68, %swap3A_69] : memref<8x128xf32, #tpu.memory_space<vmem>>, vector<8x128xf32>
      tpu.vector_store %arg10[%swap3A_68, %swap3A_69], %get3A_67 {strides = array<i32>} : memref<8x128xf32, #tpu.memory_space<vmem>>, vector<8x128xf32>,
    } else {
    }
    return
  }
  func.func @transform_0(%arg0: i32) -> (i32, i32) {
    %c0_i32 = arith.constant 0 : i32
    %c0_i32_0 = arith.constant 0 : i32
    return %arg0, %c0_i32 : i32, i32
  }
  func.func @transform_1(%arg0: i32) -> (i32, i32) {
    %c0_i32 = arith.constant 0 : i32
    %c0_i32_0 = arith.constant 0 : i32
    return %arg0, %c0_i32 : i32, i32
  }
  func.func @transform_2(%arg0: i32) -> (i32, i32) {
    %c0_i32 = arith.constant 0 : i32
    %c0_i32_0 = arith.constant 0 : i32
    %c0_i32_1 = arith.constant 0 : i32
    return %c0_i32, %c0_i32_0 : i32, i32
  }
  func.func @transform_3(%arg0: i32) -> (i32, i32) {
    %c0_i32 = arith.constant 0 : i32
    %c0_i32_0 = arith.constant 0 : i32
    %c0_i32_1 = arith.constant 0 : i32
    return %c0_i32, %c0_i32_0 : i32, i32
  }
  func.func @transform_4(%arg0: i32) -> (i32, i32) {
    %c0_i32 = arith.constant 0 : i32
    %c0_i32_0 = arith.constant 0 : i32
    %c0_i32_1 = arith.constant 0 : i32
    return %c0_i32, %c0_i32_0 : i32, i32
  }
  func.func @transform_5(%arg0: i32) -> (i32, i32) {
    %c0_i32 = arith.constant 0 : i32
    %c0_i32_0 = arith.constant 0 : i32
    %c0_i32_1 = arith.constant 0 : i32
    return %c0_i32, %c0_i32_0 : i32, i32
  }
  func.func @transform_6(%arg0: i32) -> (i32, i32) {
    %c0_i32 = arith.constant 0 : i32
    %c0_i32_0 = arith.constant 0 : i32
    %c0_i32_1 = arith.constant 0 : i32
    return %c0_i32, %c0_i32_0 : i32, i32
  }
  func.func @transform_7(%arg0: i32) -> (i32, i32) {
    %c0_i32 = arith.constant 0 : i32
    %c0_i32_0 = arith.constant 0 : i32
    %c0_i32_1 = arith.constant 0 : i32
    return %c0_i32, %c0_i32_0 : i32, i32
  }
  func.func @transform_8(%arg0: i32) -> (i32, i32) {
    %c0_i32 = arith.constant 0 : i32
    %c0_i32_0 = arith.constant 0 : i32
    %c0_i32_1 = arith.constant 0 : i32
    return %c0_i32, %c0_i32_0 : i32, i32
  }
  func.func @transform_9(%arg0: i32) -> (i32, i32) {
    %c0_i32 = arith.constant 0 : i32
    %c0_i32_0 = arith.constant 0 : i32
    %c0_i32_1 = arith.constant 0 : i32
    return %c0_i32, %c0_i32_0 : i32, i32
  }
}

module attributes {stable_mosaic.version = 14 : i64} {
  func.func @_pass_c_body(%arg0: i32, %arg1: memref<8192x64xf32, #tpu.memory_space<vmem>>, %arg2: memref<8192x8xf32, #tpu.memory_space<vmem>>, %arg3: memref<64x64xf32, #tpu.memory_space<vmem>>, %arg4: memref<8x64xf32, #tpu.memory_space<vmem>>, %arg5: memref<1x64xf32, #tpu.memory_space<vmem>>, %arg6: memref<1x64xf32, #tpu.memory_space<vmem>>, %arg7: memref<1x64xf32, #tpu.memory_space<vmem>>, %arg8: memref<64x128xf32, #tpu.memory_space<vmem>>, %arg9: memref<1x128xf32, #tpu.memory_space<vmem>>, %arg10: memref<1x128xf32, #tpu.memory_space<vmem>>, %arg11: memref<1x128xf32, #tpu.memory_space<vmem>>, %arg12: memref<128x128xf32, #tpu.memory_space<vmem>>, %arg13: memref<1x128xf32, #tpu.memory_space<vmem>>, %arg14: memref<8x128xf32, #tpu.memory_space<vmem>>, %arg15: memref<8x128xf32, #tpu.memory_space<vmem>>) attributes {dimension_semantics = [#tpu.dimension_semantics<arbitrary>], iteration_bounds = array<i64: 32>, scalar_prefetch = 0 : i64, scratch_operands = 1 : i64, tpu.core_type = #tpu.core_type<tc>, window_params = [{transform_indices = @transform_0, window_bounds = array<i64: 8192, 64>}, {transform_indices = @transform_1, window_bounds = array<i64: 8192, 8>}, {pipeline_mode = #tpu.pipeline_mode<synchronous>, transform_indices = @transform_2, window_bounds = array<i64: 64, 64>}, {pipeline_mode = #tpu.pipeline_mode<synchronous>, transform_indices = @transform_3, window_bounds = array<i64: 8, 64>}, {pipeline_mode = #tpu.pipeline_mode<synchronous>, transform_indices = @transform_4, window_bounds = array<i64: 1, 64>}, {pipeline_mode = #tpu.pipeline_mode<synchronous>, transform_indices = @transform_5, window_bounds = array<i64: 1, 64>}, {pipeline_mode = #tpu.pipeline_mode<synchronous>, transform_indices = @transform_6, window_bounds = array<i64: 1, 64>}, {pipeline_mode = #tpu.pipeline_mode<synchronous>, transform_indices = @transform_7, window_bounds = array<i64: 64, 128>}, {pipeline_mode = #tpu.pipeline_mode<synchronous>, transform_indices = @transform_8, window_bounds = array<i64: 1, 128>}, {pipeline_mode = #tpu.pipeline_mode<synchronous>, transform_indices = @transform_9, window_bounds = array<i64: 1, 128>}, {pipeline_mode = #tpu.pipeline_mode<synchronous>, transform_indices = @transform_10, window_bounds = array<i64: 1, 128>}, {pipeline_mode = #tpu.pipeline_mode<synchronous>, transform_indices = @transform_11, window_bounds = array<i64: 128, 128>}, {pipeline_mode = #tpu.pipeline_mode<synchronous>, transform_indices = @transform_12, window_bounds = array<i64: 1, 128>}, {pipeline_mode = #tpu.pipeline_mode<synchronous>, transform_indices = @transform_13, window_bounds = array<i64: 8, 128>}]} {
    %get3A = arith.constant 0 : index
    %get3A_0 = arith.constant 0 : index
    %get3A_1 = vector.load %arg1[%get3A, %get3A_0] : memref<8192x64xf32, #tpu.memory_space<vmem>>, vector<8192x64xf32>
    %get3A_2 = arith.constant 0 : index
    %get3A_3 = arith.constant 0 : index
    %get3A_4 = vector.load %arg2[%get3A_2, %get3A_3] : memref<8192x8xf32, #tpu.memory_space<vmem>>, vector<8192x8xf32>
    %get3A_5 = arith.constant 0 : index
    %get3A_6 = arith.constant 0 : index
    %get3A_7 = vector.load %arg3[%get3A_5, %get3A_6] : memref<64x64xf32, #tpu.memory_space<vmem>>, vector<64x64xf32>
    %get3A_8 = arith.constant 0 : index
    %get3A_9 = arith.constant 0 : index
    %get3A_10 = vector.load %arg4[%get3A_8, %get3A_9] : memref<8x64xf32, #tpu.memory_space<vmem>>, vector<8x64xf32>
    %get3A_11 = arith.constant 0 : index
    %get3A_12 = arith.constant 0 : index
    %get3A_13 = vector.load %arg5[%get3A_11, %get3A_12] : memref<1x64xf32, #tpu.memory_space<vmem>>, vector<1x64xf32>
    %dot_general3A = arith.constant dense<0.000000e+00> : vector<8192x64xf32>
    %dot_general3A_14 = tpu.matmul %get3A_1, %get3A_7, %dot_general3A {dimension_numbers = #tpu.dot_dimension_numbers<[1], [0], [0], [1], [0, 0, 1, 1], [], []>, transpose_lhs_hint = false} : vector<8192x64xf32>, vector<64x64xf32>, vector<8192x64xf32> -> vector<8192x64xf32>
    %dot_general3A_15 = arith.constant dense<0.000000e+00> : vector<8192x64xf32>
    %dot_general3A_16 = tpu.matmul %get3A_4, %get3A_10, %dot_general3A_15 {dimension_numbers = #tpu.dot_dimension_numbers<[1], [0], [0], [1], [0, 0, 1, 1], [], []>, transpose_lhs_hint = false} : vector<8192x8xf32>, vector<8x64xf32>, vector<8192x64xf32> -> vector<8192x64xf32>
    %add3A = arith.addf %dot_general3A_14, %dot_general3A_16 : vector<8192x64xf32>
    %add3A_17 = vector.broadcast %get3A_13 : vector<1x64xf32> to vector<8192x64xf32>
    %add3A_18 = arith.addf %add3A, %add3A_17 : vector<8192x64xf32>
    %get3A_19 = arith.constant 0 : index
    %get3A_20 = arith.constant 0 : index
    %get3A_21 = vector.load %arg6[%get3A_19, %get3A_20] : memref<1x64xf32, #tpu.memory_space<vmem>>, vector<1x64xf32>
    %mul3A = vector.broadcast %get3A_21 : vector<1x64xf32> to vector<8192x64xf32>
    %mul3A_22 = arith.mulf %add3A_18, %mul3A : vector<8192x64xf32>
    %get3A_23 = arith.constant 0 : index
    %get3A_24 = arith.constant 0 : index
    %get3A_25 = vector.load %arg7[%get3A_23, %get3A_24] : memref<1x64xf32, #tpu.memory_space<vmem>>, vector<1x64xf32>
    %add3A_26 = vector.broadcast %get3A_25 : vector<1x64xf32> to vector<8192x64xf32>
    %add3A_27 = arith.addf %mul3A_22, %add3A_26 : vector<8192x64xf32>
    %max3A = arith.constant 0.000000e+00 : f32
    %max3A_28 = vector.broadcast %max3A : f32 to vector<8192x64xf32>
    %max3A_29 = arith.maximumf %add3A_27, %max3A_28 : vector<8192x64xf32>
    %get3A_30 = arith.constant 0 : index
    %get3A_31 = arith.constant 0 : index
    %get3A_32 = vector.load %arg8[%get3A_30, %get3A_31] : memref<64x128xf32, #tpu.memory_space<vmem>>, vector<64x128xf32>
    %dot_general3A_33 = arith.constant dense<0.000000e+00> : vector<8192x128xf32>
    %dot_general3A_34 = tpu.matmul %max3A_29, %get3A_32, %dot_general3A_33 {dimension_numbers = #tpu.dot_dimension_numbers<[1], [0], [0], [1], [0, 0, 1, 1], [], []>, transpose_lhs_hint = false} : vector<8192x64xf32>, vector<64x128xf32>, vector<8192x128xf32> -> vector<8192x128xf32>
    %get3A_35 = arith.constant 0 : index
    %get3A_36 = arith.constant 0 : index
    %get3A_37 = vector.load %arg9[%get3A_35, %get3A_36] : memref<1x128xf32, #tpu.memory_space<vmem>>, vector<1x128xf32>
    %add3A_38 = vector.broadcast %get3A_37 : vector<1x128xf32> to vector<8192x128xf32>
    %add3A_39 = arith.addf %dot_general3A_34, %add3A_38 : vector<8192x128xf32>
    %get3A_40 = arith.constant 0 : index
    %get3A_41 = arith.constant 0 : index
    %get3A_42 = vector.load %arg10[%get3A_40, %get3A_41] : memref<1x128xf32, #tpu.memory_space<vmem>>, vector<1x128xf32>
    %mul3A_43 = vector.broadcast %get3A_42 : vector<1x128xf32> to vector<8192x128xf32>
    %mul3A_44 = arith.mulf %add3A_39, %mul3A_43 : vector<8192x128xf32>
    %get3A_45 = arith.constant 0 : index
    %get3A_46 = arith.constant 0 : index
    %get3A_47 = vector.load %arg11[%get3A_45, %get3A_46] : memref<1x128xf32, #tpu.memory_space<vmem>>, vector<1x128xf32>
    %add3A_48 = vector.broadcast %get3A_47 : vector<1x128xf32> to vector<8192x128xf32>
    %add3A_49 = arith.addf %mul3A_44, %add3A_48 : vector<8192x128xf32>
    %max3A_50 = arith.constant 0.000000e+00 : f32
    %max3A_51 = vector.broadcast %max3A_50 : f32 to vector<8192x128xf32>
    %max3A_52 = arith.maximumf %add3A_49, %max3A_51 : vector<8192x128xf32>
    %get3A_53 = arith.constant 0 : index
    %get3A_54 = arith.constant 0 : index
    %get3A_55 = vector.load %arg12[%get3A_53, %get3A_54] : memref<128x128xf32, #tpu.memory_space<vmem>>, vector<128x128xf32>
    %dot_general3A_56 = arith.constant dense<0.000000e+00> : vector<8192x128xf32>
    %dot_general3A_57 = tpu.matmul %max3A_52, %get3A_55, %dot_general3A_56 {dimension_numbers = #tpu.dot_dimension_numbers<[1], [0], [0], [1], [0, 0, 1, 1], [], []>, transpose_lhs_hint = false} : vector<8192x128xf32>, vector<128x128xf32>, vector<8192x128xf32> -> vector<8192x128xf32>
    %get3A_58 = arith.constant 0 : index
    %get3A_59 = arith.constant 0 : index
    %get3A_60 = vector.load %arg13[%get3A_58, %get3A_59] : memref<1x128xf32, #tpu.memory_space<vmem>>, vector<1x128xf32>
    %add3A_61 = vector.broadcast %get3A_60 : vector<1x128xf32> to vector<8192x128xf32>
    %add3A_62 = arith.addf %dot_general3A_57, %add3A_61 : vector<8192x128xf32>
    %eq3A = arith.constant 0 : i32
    %eq3A_63 = arith.cmpi eq, %arg0, %eq3A : i32
    %convert_element_type3A = arith.extui %eq3A_63 : i1 to i32
    %cond3A = arith.constant 0 : i32
    %cond3A_64 = arith.cmpi ne, %convert_element_type3A, %cond3A : i32
    scf.if %cond3A_64 {
      %broadcast_in_dim3A_88 = arith.constant 0.000000e+00 : f32
      %broadcast_in_dim3A_89 = vector.broadcast %broadcast_in_dim3A_88 : f32 to vector<8x128xf32>
      %swap3A_90 = arith.constant 0 : index
      %swap3A_91 = arith.constant 0 : index
      %swap3A_92 = vector.load %arg15[%swap3A_90, %swap3A_91] : memref<8x128xf32, #tpu.memory_space<vmem>>, vector<8x128xf32>
      tpu.vector_store %arg15[%swap3A_90, %swap3A_91], %broadcast_in_dim3A_89 {strides = array<i32>} : memref<8x128xf32, #tpu.memory_space<vmem>>, vector<8x128xf32>,
    } else {
    }
    %get3A_65 = arith.constant 0 : index
    %get3A_66 = arith.constant 0 : index
    %get3A_67 = vector.load %arg15[%get3A_65, %get3A_66] : memref<8x128xf32, #tpu.memory_space<vmem>>, vector<1x128xf32>
    %reduce_sum3A = arith.constant dense<0.000000e+00> : vector<128xf32>
    %reduce_sum3A_68 = vector.multi_reduction <add>, %add3A_62, %reduce_sum3A [0] : vector<8192x128xf32> to vector<128xf32>
    %broadcast_in_dim3A = vector.shape_cast %reduce_sum3A_68 : vector<128xf32> to vector<1x128xf32>
    %add3A_69 = arith.addf %get3A_67, %broadcast_in_dim3A : vector<1x128xf32>
    %swap3A = arith.constant 0 : index
    %swap3A_70 = arith.constant 0 : index
    %swap3A_71 = vector.load %arg15[%swap3A, %swap3A_70] : memref<8x128xf32, #tpu.memory_space<vmem>>, vector<1x128xf32>
    tpu.vector_store %arg15[%swap3A, %swap3A_70], %add3A_69 {strides = array<i32>} : memref<8x128xf32, #tpu.memory_space<vmem>>, vector<1x128xf32>,
    %get3A_72 = arith.constant 1 : index
    %get3A_73 = arith.constant 0 : index
    %get3A_74 = vector.load %arg15[%get3A_72, %get3A_73] : memref<8x128xf32, #tpu.memory_space<vmem>>, vector<1x128xf32>
    %mul3A_75 = arith.mulf %add3A_62, %add3A_62 : vector<8192x128xf32>
    %reduce_sum3A_76 = arith.constant dense<0.000000e+00> : vector<128xf32>
    %reduce_sum3A_77 = vector.multi_reduction <add>, %mul3A_75, %reduce_sum3A_76 [0] : vector<8192x128xf32> to vector<128xf32>
    %broadcast_in_dim3A_78 = vector.shape_cast %reduce_sum3A_77 : vector<128xf32> to vector<1x128xf32>
    %add3A_79 = arith.addf %get3A_74, %broadcast_in_dim3A_78 : vector<1x128xf32>
    %swap3A_80 = arith.constant 1 : index
    %swap3A_81 = arith.constant 0 : index
    %swap3A_82 = vector.load %arg15[%swap3A_80, %swap3A_81] : memref<8x128xf32, #tpu.memory_space<vmem>>, vector<1x128xf32>
    tpu.vector_store %arg15[%swap3A_80, %swap3A_81], %add3A_79 {strides = array<i32>} : memref<8x128xf32, #tpu.memory_space<vmem>>, vector<1x128xf32>,
    %eq3A_83 = arith.constant 31 : i32
    %eq3A_84 = arith.cmpi eq, %arg0, %eq3A_83 : i32
    %convert_element_type3A_85 = arith.extui %eq3A_84 : i1 to i32
    %cond3A_86 = arith.constant 0 : i32
    %cond3A_87 = arith.cmpi ne, %convert_element_type3A_85, %cond3A_86 : i32
    scf.if %cond3A_87 {
      %get3A_88 = arith.constant 0 : index
      %get3A_89 = arith.constant 0 : index
      %get3A_90 = vector.load %arg15[%get3A_88, %get3A_89] : memref<8x128xf32, #tpu.memory_space<vmem>>, vector<8x128xf32>
      %swap3A_91 = arith.constant 0 : index
      %swap3A_92 = arith.constant 0 : index
      %swap3A_93 = vector.load %arg14[%swap3A_91, %swap3A_92] : memref<8x128xf32, #tpu.memory_space<vmem>>, vector<8x128xf32>
      tpu.vector_store %arg14[%swap3A_91, %swap3A_92], %get3A_90 {strides = array<i32>} : memref<8x128xf32, #tpu.memory_space<vmem>>, vector<8x128xf32>,
    } else {
    }
    return
  }
  func.func @transform_0(%arg0: i32) -> (i32, i32) {
    %c0_i32 = arith.constant 0 : i32
    %c0_i32_0 = arith.constant 0 : i32
    return %arg0, %c0_i32 : i32, i32
  }
  func.func @transform_1(%arg0: i32) -> (i32, i32) {
    %c0_i32 = arith.constant 0 : i32
    %c0_i32_0 = arith.constant 0 : i32
    return %arg0, %c0_i32 : i32, i32
  }
  func.func @transform_2(%arg0: i32) -> (i32, i32) {
    %c0_i32 = arith.constant 0 : i32
    %c0_i32_0 = arith.constant 0 : i32
    %c0_i32_1 = arith.constant 0 : i32
    return %c0_i32, %c0_i32_0 : i32, i32
  }
  func.func @transform_3(%arg0: i32) -> (i32, i32) {
    %c0_i32 = arith.constant 0 : i32
    %c0_i32_0 = arith.constant 0 : i32
    %c0_i32_1 = arith.constant 0 : i32
    return %c0_i32, %c0_i32_0 : i32, i32
  }
  func.func @transform_4(%arg0: i32) -> (i32, i32) {
    %c0_i32 = arith.constant 0 : i32
    %c0_i32_0 = arith.constant 0 : i32
    %c0_i32_1 = arith.constant 0 : i32
    return %c0_i32, %c0_i32_0 : i32, i32
  }
  func.func @transform_5(%arg0: i32) -> (i32, i32) {
    %c0_i32 = arith.constant 0 : i32
    %c0_i32_0 = arith.constant 0 : i32
    %c0_i32_1 = arith.constant 0 : i32
    return %c0_i32, %c0_i32_0 : i32, i32
  }
  func.func @transform_6(%arg0: i32) -> (i32, i32) {
    %c0_i32 = arith.constant 0 : i32
    %c0_i32_0 = arith.constant 0 : i32
    %c0_i32_1 = arith.constant 0 : i32
    return %c0_i32, %c0_i32_0 : i32, i32
  }
  func.func @transform_7(%arg0: i32) -> (i32, i32) {
    %c0_i32 = arith.constant 0 : i32
    %c0_i32_0 = arith.constant 0 : i32
    %c0_i32_1 = arith.constant 0 : i32
    return %c0_i32, %c0_i32_0 : i32, i32
  }
  func.func @transform_8(%arg0: i32) -> (i32, i32) {
    %c0_i32 = arith.constant 0 : i32
    %c0_i32_0 = arith.constant 0 : i32
    %c0_i32_1 = arith.constant 0 : i32
    return %c0_i32, %c0_i32_0 : i32, i32
  }
  func.func @transform_9(%arg0: i32) -> (i32, i32) {
    %c0_i32 = arith.constant 0 : i32
    %c0_i32_0 = arith.constant 0 : i32
    %c0_i32_1 = arith.constant 0 : i32
    return %c0_i32, %c0_i32_0 : i32, i32
  }
  func.func @transform_10(%arg0: i32) -> (i32, i32) {
    %c0_i32 = arith.constant 0 : i32
    %c0_i32_0 = arith.constant 0 : i32
    %c0_i32_1 = arith.constant 0 : i32
    return %c0_i32, %c0_i32_0 : i32, i32
  }
  func.func @transform_11(%arg0: i32) -> (i32, i32) {
    %c0_i32 = arith.constant 0 : i32
    %c0_i32_0 = arith.constant 0 : i32
    %c0_i32_1 = arith.constant 0 : i32
    return %c0_i32, %c0_i32_0 : i32, i32
  }
  func.func @transform_12(%arg0: i32) -> (i32, i32) {
    %c0_i32 = arith.constant 0 : i32
    %c0_i32_0 = arith.constant 0 : i32
    %c0_i32_1 = arith.constant 0 : i32
    return %c0_i32, %c0_i32_0 : i32, i32
  }
  func.func @transform_13(%arg0: i32) -> (i32, i32) {
    %c0_i32 = arith.constant 0 : i32
    %c0_i32_0 = arith.constant 0 : i32
    %c0_i32_1 = arith.constant 0 : i32
    return %c0_i32, %c0_i32_0 : i32, i32
  }
}

module attributes {stable_mosaic.version = 14 : i64} {
  func.func @_pass_d_body(%arg0: i32, %arg1: memref<8192x64xf32, #tpu.memory_space<vmem>>, %arg2: memref<8192x8xf32, #tpu.memory_space<vmem>>, %arg3: memref<64x64xf32, #tpu.memory_space<vmem>>, %arg4: memref<8x64xf32, #tpu.memory_space<vmem>>, %arg5: memref<1x64xf32, #tpu.memory_space<vmem>>, %arg6: memref<1x64xf32, #tpu.memory_space<vmem>>, %arg7: memref<1x64xf32, #tpu.memory_space<vmem>>, %arg8: memref<64x128xf32, #tpu.memory_space<vmem>>, %arg9: memref<1x128xf32, #tpu.memory_space<vmem>>, %arg10: memref<1x128xf32, #tpu.memory_space<vmem>>, %arg11: memref<1x128xf32, #tpu.memory_space<vmem>>, %arg12: memref<128x128xf32, #tpu.memory_space<vmem>>, %arg13: memref<1x128xf32, #tpu.memory_space<vmem>>, %arg14: memref<1x128xf32, #tpu.memory_space<vmem>>, %arg15: memref<1x128xf32, #tpu.memory_space<vmem>>, %arg16: memref<256x128xf32, #tpu.memory_space<vmem>>) attributes {dimension_semantics = [#tpu.dimension_semantics<arbitrary>], iteration_bounds = array<i64: 32>, scalar_prefetch = 0 : i64, scratch_operands = 0 : i64, tpu.core_type = #tpu.core_type<tc>, window_params = [{transform_indices = @transform_0, window_bounds = array<i64: 8192, 64>}, {transform_indices = @transform_1, window_bounds = array<i64: 8192, 8>}, {pipeline_mode = #tpu.pipeline_mode<synchronous>, transform_indices = @transform_2, window_bounds = array<i64: 64, 64>}, {pipeline_mode = #tpu.pipeline_mode<synchronous>, transform_indices = @transform_3, window_bounds = array<i64: 8, 64>}, {pipeline_mode = #tpu.pipeline_mode<synchronous>, transform_indices = @transform_4, window_bounds = array<i64: 1, 64>}, {pipeline_mode = #tpu.pipeline_mode<synchronous>, transform_indices = @transform_5, window_bounds = array<i64: 1, 64>}, {pipeline_mode = #tpu.pipeline_mode<synchronous>, transform_indices = @transform_6, window_bounds = array<i64: 1, 64>}, {pipeline_mode = #tpu.pipeline_mode<synchronous>, transform_indices = @transform_7, window_bounds = array<i64: 64, 128>}, {pipeline_mode = #tpu.pipeline_mode<synchronous>, transform_indices = @transform_8, window_bounds = array<i64: 1, 128>}, {pipeline_mode = #tpu.pipeline_mode<synchronous>, transform_indices = @transform_9, window_bounds = array<i64: 1, 128>}, {pipeline_mode = #tpu.pipeline_mode<synchronous>, transform_indices = @transform_10, window_bounds = array<i64: 1, 128>}, {pipeline_mode = #tpu.pipeline_mode<synchronous>, transform_indices = @transform_11, window_bounds = array<i64: 128, 128>}, {pipeline_mode = #tpu.pipeline_mode<synchronous>, transform_indices = @transform_12, window_bounds = array<i64: 1, 128>}, {pipeline_mode = #tpu.pipeline_mode<synchronous>, transform_indices = @transform_13, window_bounds = array<i64: 1, 128>}, {pipeline_mode = #tpu.pipeline_mode<synchronous>, transform_indices = @transform_14, window_bounds = array<i64: 1, 128>}, {transform_indices = @transform_15, window_bounds = array<i64: 256, 128>}]} {
    %get3A = arith.constant 0 : index
    %get3A_0 = arith.constant 0 : index
    %get3A_1 = vector.load %arg1[%get3A, %get3A_0] : memref<8192x64xf32, #tpu.memory_space<vmem>>, vector<8192x64xf32>
    %get3A_2 = arith.constant 0 : index
    %get3A_3 = arith.constant 0 : index
    %get3A_4 = vector.load %arg2[%get3A_2, %get3A_3] : memref<8192x8xf32, #tpu.memory_space<vmem>>, vector<8192x8xf32>
    %get3A_5 = arith.constant 0 : index
    %get3A_6 = arith.constant 0 : index
    %get3A_7 = vector.load %arg3[%get3A_5, %get3A_6] : memref<64x64xf32, #tpu.memory_space<vmem>>, vector<64x64xf32>
    %get3A_8 = arith.constant 0 : index
    %get3A_9 = arith.constant 0 : index
    %get3A_10 = vector.load %arg4[%get3A_8, %get3A_9] : memref<8x64xf32, #tpu.memory_space<vmem>>, vector<8x64xf32>
    %get3A_11 = arith.constant 0 : index
    %get3A_12 = arith.constant 0 : index
    %get3A_13 = vector.load %arg5[%get3A_11, %get3A_12] : memref<1x64xf32, #tpu.memory_space<vmem>>, vector<1x64xf32>
    %dot_general3A = arith.constant dense<0.000000e+00> : vector<8192x64xf32>
    %dot_general3A_14 = tpu.matmul %get3A_1, %get3A_7, %dot_general3A {dimension_numbers = #tpu.dot_dimension_numbers<[1], [0], [0], [1], [0, 0, 1, 1], [], []>, transpose_lhs_hint = false} : vector<8192x64xf32>, vector<64x64xf32>, vector<8192x64xf32> -> vector<8192x64xf32>
    %dot_general3A_15 = arith.constant dense<0.000000e+00> : vector<8192x64xf32>
    %dot_general3A_16 = tpu.matmul %get3A_4, %get3A_10, %dot_general3A_15 {dimension_numbers = #tpu.dot_dimension_numbers<[1], [0], [0], [1], [0, 0, 1, 1], [], []>, transpose_lhs_hint = false} : vector<8192x8xf32>, vector<8x64xf32>, vector<8192x64xf32> -> vector<8192x64xf32>
    %add3A = arith.addf %dot_general3A_14, %dot_general3A_16 : vector<8192x64xf32>
    %add3A_17 = vector.broadcast %get3A_13 : vector<1x64xf32> to vector<8192x64xf32>
    %add3A_18 = arith.addf %add3A, %add3A_17 : vector<8192x64xf32>
    %get3A_19 = arith.constant 0 : index
    %get3A_20 = arith.constant 0 : index
    %get3A_21 = vector.load %arg6[%get3A_19, %get3A_20] : memref<1x64xf32, #tpu.memory_space<vmem>>, vector<1x64xf32>
    %mul3A = vector.broadcast %get3A_21 : vector<1x64xf32> to vector<8192x64xf32>
    %mul3A_22 = arith.mulf %add3A_18, %mul3A : vector<8192x64xf32>
    %get3A_23 = arith.constant 0 : index
    %get3A_24 = arith.constant 0 : index
    %get3A_25 = vector.load %arg7[%get3A_23, %get3A_24] : memref<1x64xf32, #tpu.memory_space<vmem>>, vector<1x64xf32>
    %add3A_26 = vector.broadcast %get3A_25 : vector<1x64xf32> to vector<8192x64xf32>
    %add3A_27 = arith.addf %mul3A_22, %add3A_26 : vector<8192x64xf32>
    %max3A = arith.constant 0.000000e+00 : f32
    %max3A_28 = vector.broadcast %max3A : f32 to vector<8192x64xf32>
    %max3A_29 = arith.maximumf %add3A_27, %max3A_28 : vector<8192x64xf32>
    %get3A_30 = arith.constant 0 : index
    %get3A_31 = arith.constant 0 : index
    %get3A_32 = vector.load %arg8[%get3A_30, %get3A_31] : memref<64x128xf32, #tpu.memory_space<vmem>>, vector<64x128xf32>
    %dot_general3A_33 = arith.constant dense<0.000000e+00> : vector<8192x128xf32>
    %dot_general3A_34 = tpu.matmul %max3A_29, %get3A_32, %dot_general3A_33 {dimension_numbers = #tpu.dot_dimension_numbers<[1], [0], [0], [1], [0, 0, 1, 1], [], []>, transpose_lhs_hint = false} : vector<8192x64xf32>, vector<64x128xf32>, vector<8192x128xf32> -> vector<8192x128xf32>
    %get3A_35 = arith.constant 0 : index
    %get3A_36 = arith.constant 0 : index
    %get3A_37 = vector.load %arg9[%get3A_35, %get3A_36] : memref<1x128xf32, #tpu.memory_space<vmem>>, vector<1x128xf32>
    %add3A_38 = vector.broadcast %get3A_37 : vector<1x128xf32> to vector<8192x128xf32>
    %add3A_39 = arith.addf %dot_general3A_34, %add3A_38 : vector<8192x128xf32>
    %get3A_40 = arith.constant 0 : index
    %get3A_41 = arith.constant 0 : index
    %get3A_42 = vector.load %arg10[%get3A_40, %get3A_41] : memref<1x128xf32, #tpu.memory_space<vmem>>, vector<1x128xf32>
    %mul3A_43 = vector.broadcast %get3A_42 : vector<1x128xf32> to vector<8192x128xf32>
    %mul3A_44 = arith.mulf %add3A_39, %mul3A_43 : vector<8192x128xf32>
    %get3A_45 = arith.constant 0 : index
    %get3A_46 = arith.constant 0 : index
    %get3A_47 = vector.load %arg11[%get3A_45, %get3A_46] : memref<1x128xf32, #tpu.memory_space<vmem>>, vector<1x128xf32>
    %add3A_48 = vector.broadcast %get3A_47 : vector<1x128xf32> to vector<8192x128xf32>
    %add3A_49 = arith.addf %mul3A_44, %add3A_48 : vector<8192x128xf32>
    %max3A_50 = arith.constant 0.000000e+00 : f32
    %max3A_51 = vector.broadcast %max3A_50 : f32 to vector<8192x128xf32>
    %max3A_52 = arith.maximumf %add3A_49, %max3A_51 : vector<8192x128xf32>
    %get3A_53 = arith.constant 0 : index
    %get3A_54 = arith.constant 0 : index
    %get3A_55 = vector.load %arg12[%get3A_53, %get3A_54] : memref<128x128xf32, #tpu.memory_space<vmem>>, vector<128x128xf32>
    %dot_general3A_56 = arith.constant dense<0.000000e+00> : vector<8192x128xf32>
    %dot_general3A_57 = tpu.matmul %max3A_52, %get3A_55, %dot_general3A_56 {dimension_numbers = #tpu.dot_dimension_numbers<[1], [0], [0], [1], [0, 0, 1, 1], [], []>, transpose_lhs_hint = false} : vector<8192x128xf32>, vector<128x128xf32>, vector<8192x128xf32> -> vector<8192x128xf32>
    %get3A_58 = arith.constant 0 : index
    %get3A_59 = arith.constant 0 : index
    %get3A_60 = vector.load %arg13[%get3A_58, %get3A_59] : memref<1x128xf32, #tpu.memory_space<vmem>>, vector<1x128xf32>
    %add3A_61 = vector.broadcast %get3A_60 : vector<1x128xf32> to vector<8192x128xf32>
    %add3A_62 = arith.addf %dot_general3A_57, %add3A_61 : vector<8192x128xf32>
    %get3A_63 = arith.constant 0 : index
    %get3A_64 = arith.constant 0 : index
    %get3A_65 = vector.load %arg14[%get3A_63, %get3A_64] : memref<1x128xf32, #tpu.memory_space<vmem>>, vector<1x128xf32>
    %mul3A_66 = vector.broadcast %get3A_65 : vector<1x128xf32> to vector<8192x128xf32>
    %mul3A_67 = arith.mulf %add3A_62, %mul3A_66 : vector<8192x128xf32>
    %get3A_68 = arith.constant 0 : index
    %get3A_69 = arith.constant 0 : index
    %get3A_70 = vector.load %arg15[%get3A_68, %get3A_69] : memref<1x128xf32, #tpu.memory_space<vmem>>, vector<1x128xf32>
    %add3A_71 = vector.broadcast %get3A_70 : vector<1x128xf32> to vector<8192x128xf32>
    %add3A_72 = arith.addf %mul3A_67, %add3A_71 : vector<8192x128xf32>
    %max3A_73 = arith.constant 0.000000e+00 : f32
    %max3A_74 = vector.broadcast %max3A_73 : f32 to vector<8192x128xf32>
    %max3A_75 = arith.maximumf %add3A_72, %max3A_74 : vector<8192x128xf32>
    %reshape3A = vector.shape_cast %max3A_75 : vector<8192x128xf32> to vector<256x32x128xf32>
    %reduce_max3A = arith.constant dense<0xFF800000> : vector<256x128xf32>
    %reduce_max3A_76 = vector.multi_reduction <maximumf>, %reshape3A, %reduce_max3A [1] : vector<256x32x128xf32> to vector<256x128xf32>
    %swap3A = arith.constant 0 : index
    %swap3A_77 = arith.constant 0 : index
    %swap3A_78 = vector.load %arg16[%swap3A, %swap3A_77] : memref<256x128xf32, #tpu.memory_space<vmem>>, vector<256x128xf32>
    tpu.vector_store %arg16[%swap3A, %swap3A_77], %reduce_max3A_76 {strides = array<i32>} : memref<256x128xf32, #tpu.memory_space<vmem>>, vector<256x128xf32>,
    return
  }
  func.func @transform_0(%arg0: i32) -> (i32, i32) {
    %c0_i32 = arith.constant 0 : i32
    %c0_i32_0 = arith.constant 0 : i32
    return %arg0, %c0_i32 : i32, i32
  }
  func.func @transform_1(%arg0: i32) -> (i32, i32) {
    %c0_i32 = arith.constant 0 : i32
    %c0_i32_0 = arith.constant 0 : i32
    return %arg0, %c0_i32 : i32, i32
  }
  func.func @transform_2(%arg0: i32) -> (i32, i32) {
    %c0_i32 = arith.constant 0 : i32
    %c0_i32_0 = arith.constant 0 : i32
    %c0_i32_1 = arith.constant 0 : i32
    return %c0_i32, %c0_i32_0 : i32, i32
  }
  func.func @transform_3(%arg0: i32) -> (i32, i32) {
    %c0_i32 = arith.constant 0 : i32
    %c0_i32_0 = arith.constant 0 : i32
    %c0_i32_1 = arith.constant 0 : i32
    return %c0_i32, %c0_i32_0 : i32, i32
  }
  func.func @transform_4(%arg0: i32) -> (i32, i32) {
    %c0_i32 = arith.constant 0 : i32
    %c0_i32_0 = arith.constant 0 : i32
    %c0_i32_1 = arith.constant 0 : i32
    return %c0_i32, %c0_i32_0 : i32, i32
  }
  func.func @transform_5(%arg0: i32) -> (i32, i32) {
    %c0_i32 = arith.constant 0 : i32
    %c0_i32_0 = arith.constant 0 : i32
    %c0_i32_1 = arith.constant 0 : i32
    return %c0_i32, %c0_i32_0 : i32, i32
  }
  func.func @transform_6(%arg0: i32) -> (i32, i32) {
    %c0_i32 = arith.constant 0 : i32
    %c0_i32_0 = arith.constant 0 : i32
    %c0_i32_1 = arith.constant 0 : i32
    return %c0_i32, %c0_i32_0 : i32, i32
  }
  func.func @transform_7(%arg0: i32) -> (i32, i32) {
    %c0_i32 = arith.constant 0 : i32
    %c0_i32_0 = arith.constant 0 : i32
    %c0_i32_1 = arith.constant 0 : i32
    return %c0_i32, %c0_i32_0 : i32, i32
  }
  func.func @transform_8(%arg0: i32) -> (i32, i32) {
    %c0_i32 = arith.constant 0 : i32
    %c0_i32_0 = arith.constant 0 : i32
    %c0_i32_1 = arith.constant 0 : i32
    return %c0_i32, %c0_i32_0 : i32, i32
  }
  func.func @transform_9(%arg0: i32) -> (i32, i32) {
    %c0_i32 = arith.constant 0 : i32
    %c0_i32_0 = arith.constant 0 : i32
    %c0_i32_1 = arith.constant 0 : i32
    return %c0_i32, %c0_i32_0 : i32, i32
  }
  func.func @transform_10(%arg0: i32) -> (i32, i32) {
    %c0_i32 = arith.constant 0 : i32
    %c0_i32_0 = arith.constant 0 : i32
    %c0_i32_1 = arith.constant 0 : i32
    return %c0_i32, %c0_i32_0 : i32, i32
  }
  func.func @transform_11(%arg0: i32) -> (i32, i32) {
    %c0_i32 = arith.constant 0 : i32
    %c0_i32_0 = arith.constant 0 : i32
    %c0_i32_1 = arith.constant 0 : i32
    return %c0_i32, %c0_i32_0 : i32, i32
  }
  func.func @transform_12(%arg0: i32) -> (i32, i32) {
    %c0_i32 = arith.constant 0 : i32
    %c0_i32_0 = arith.constant 0 : i32
    %c0_i32_1 = arith.constant 0 : i32
    return %c0_i32, %c0_i32_0 : i32, i32
  }
  func.func @transform_13(%arg0: i32) -> (i32, i32) {
    %c0_i32 = arith.constant 0 : i32
    %c0_i32_0 = arith.constant 0 : i32
    %c0_i32_1 = arith.constant 0 : i32
    return %c0_i32, %c0_i32_0 : i32, i32
  }
  func.func @transform_14(%arg0: i32) -> (i32, i32) {
    %c0_i32 = arith.constant 0 : i32
    %c0_i32_0 = arith.constant 0 : i32
    %c0_i32_1 = arith.constant 0 : i32
    return %c0_i32, %c0_i32_0 : i32, i32
  }
  func.func @transform_15(%arg0: i32) -> (i32, i32) {
    %c0_i32 = arith.constant 0 : i32
    %c0_i32_0 = arith.constant 0 : i32
    return %arg0, %c0_i32 : i32, i32
  }
}

</mosaic_0001>

<sc_bundles>
// kernel: kernel.8.cloned.1.call-start
scs
__scs_entry_jumppad:
0x0: {  	(pc) =	sbr.rel $0x88, $3  }
0x1: {  	(tag) =	ssettag $0x0;
	lr =	simm.s32 $0x1  }
0x2: {  	[smem:$0x3F92] =	sst lr;
	_ =	strace $0xD0000000  }
0x3: {  	_ = 	snop  }
0x4: {  	_ = 	snop  }
0x5: {  	_ = 	snop  }
0x6: {  	_ = 	snop  }
0x7: {  	_ = 	snop  }
__scs_overlays_trampoline_lowered:
0x8: {  	[smem:$0x3FA1] =	sst s0  }
0x9: {  	[smem:$0x3FA2] =	sst s1  }
0xa: {  	[smem:$0x3FA3] =	sst s2  }
0xb: {  	[smem:$0x3FA4] =	sst s3  }
0xc: {  	[smem:$0x3FA5] =	sst s4  }
0xd: {  	[smem:$0x3FA6] =	sst s5  }
0xe: {  	[smem:$0x3FA7] =	sst s6  }
0xf: {  	[smem:$0x3FA8] =	sst s7  }
0x10: {  	[smem:$0x3FA9] =	sst s8  }
0x11: {  	[smem:$0x3FAA] =	sst s9;
	s0 =	simm.s32 @!p0 $0x0  }
0x12: {  	s1 =	sld [smem:$0x3F90];
	s0 =	simm.s32 @p0 $0x1  }
0x13: {  	[smem:$0x3FAB] =	sst s0;
	s0 =	simm.s32 @!p1 $0x0  }
0x14: {  	s2 =	sld [smem:$0x3F8F];
	s0 =	simm.s32 @p1 $0x1  }
0x15: {  	[smem:$0x3FAC] =	sst s0;
	s0 =	simm.s32 @!p2 $0x0  }
0x16: {  	s3 =	sld [smem:$0x3FDB];
	s0 =	simm.s32 @p2 $0x1  }
0x17: {  	s4 =	simm.s32 $0x1BF5;
	[smem:$0x3FAE] =	sst s0  }
0x18: {  	s0 =	sld [smem:$0x3F91];
	_ =	swait.ge [sflag:s4], $0x0  }
0x19: {  	s7 =	sld [smem:$0x3F92]  }
0x1a: {  	s8 =	sadd.s32 $0xFFFFE003, lr  }
0x1b: {  	s9 =	sadd.s32 $0xFFFFFEF7, lr;
	s5 =	simm.s32 $0xFFFFFFFF;
	p2 =	slt.u32 s8, $0xFFFFF086  }
0x1c: {  	p1 =	slt.u32 s9, $0xF7A;
	s5 =	simm.s32 @!p2 $0x0  }
0x1d: {  	s5 =	simm.s32 @p1 $0x1;
	p0 =	seq.s32 s7, s2  }
0x1e: {  	s7 =	smul.u32 @!p0 $0xF7A, s2;
	p2 =	seq.s32 @!p0 s5, $0x0  }
0x1f: {  	s9 =	smul.u32 $0xF7A, s1;
	s8 =	simm.s32 @!p0 $0x1BF5;
	p2 =	por !p2, p0  }
0x20: {  	[sflag:s8] =	ssyncset.s32 @!p0 $0xFFFFF086;
	s6 =	sadd.s32 @!p0 s3, s7;
	s7 =	simm.s32 @!p0 $0x108  }
0x21: {  	s3 =	sadd.s32 s3, s9;
	s6 =	sadd.s32 @!p0 $0x88, s6;
	s7 =	simm.s32 @p2 $0x1082  }
0x22: {  	[simem:s7], [sflag:s8] =	dma.local @!p0 [hbm:s6], $0xF7A  }
0x23: {  	s9 =	sor.u32 $0xD0000000, s2;
	s6 =	simm.s32 $0x108;
	_ =	swait.ge @!p0 [sflag:s8], $0x0  }
0x24: {  	s3 =	sadd.s32 $0x88, s3;
	s6 =	simm.s32 @!p1 $0x1082;
	[sflag:s4] =	ssyncset.s32 $0xFFFFF086  }
0x25: {  	[simem:s6], [sflag:s4] =	dma.local [hbm:s3], $0xF7A  }
0x26: {  	[smem:$0x3F92] =	sst s1;
	(tag) =	ssettag s2;
	_ =	strace s9  }
0x27: {  	s1 =	sld [smem:$0x3FA2]  }
0x28: {  	s2 =	sld [smem:$0x3FA3]  }
0x29: {  	s4 =	sld [smem:$0x3FA5]  }
0x2a: {  	p0 =	seq.s32 s5, $0x0;
	s5 =	sld [smem:$0x3FA6]  }
0x2b: {  	s6 =	sld [smem:$0x3FA7]  }
0x2c: {  	s7 =	sld [smem:$0x3FA8]  }
0x2d: {  	s3 =	simm.s32 $0x108;
	s8 =	sld [smem:$0x3FA9]  }
0x2e: {  	s3 =	simm.s32 @!p0 $0x1082;
	s9 =	sld [smem:$0x3FAA]  }
0x2f: {  	lr =	sadd.s32 s0, s3;
	s0 =	sld [smem:$0x3FA1]  }
0x30: {  	s3 =	sld [smem:$0x3FA4]  }
0x31: {  	[smem:$0x3FAD] =	sst s10  }
0x32: {  	s10 =	sld [smem:$0x3FAB];
	_ =	sdelay $0x3  }
0x33: {  	p0 =	seq.s32 s10, $0x1;
	s10 =	sld [smem:$0x3FAD];
	_ =	sdelay $0x3  }
0x34: {  	[smem:$0x3FAD] =	sst s10  }
0x35: {  	s10 =	sld [smem:$0x3FAC];
	_ =	sdelay $0x3  }
0x36: {  	p1 =	seq.s32 s10, $0x1;
	s10 =	sld [smem:$0x3FAD];
	_ =	sdelay $0x3  }
0x37: {  	[smem:$0x3FAD] =	sst s10  }
0x38: {  	s10 =	sld [smem:$0x3FAE]  }
0x39: {  	_ = 	snop;
	(pc) =	sbr.ind lr, $3  }
0x3a: {  	_ = 	snop  }
0x3b: {  	_ = 	snop  }
0x3c: {  	p2 =	seq.s32 s10, $0x1;
	s10 =	sld [smem:$0x3FAD]  }
0x3d: {  	_ =	shalt  }
0x3e: {  	_ =	shalt  }
0x3f: {  	_ =	shalt  }
0x40: {  	_ =	shalt  }
0x41: {  	_ =	shalt  }
0x42: {  	_ =	shalt  }
0x43: {  	_ =	shalt  }
0x44: {  	_ =	shalt  }
0x45: {  	_ =	shalt  }
0x46: {  	_ =	shalt  }
0x47: {  	_ =	shalt  }
0x48: {  	_ =	shalt  }
0x49: {  	_ =	shalt  }
0x4a: {  	_ =	shalt  }
0x4b: {  	_ =	shalt  }
0x4c: {  	_ =	shalt  }
0x4d: {  	_ =	shalt  }
0x4e: {  	_ =	shalt  }
0x4f: {  	_ =	shalt  }
0x50: {  	_ =	shalt  }
0x51: {  	_ =	shalt  }
0x52: {  	_ =	shalt  }
0x53: {  	_ =	shalt  }
0x54: {  	_ =	shalt  }
0x55: {  	_ =	shalt  }
0x56: {  	_ =	shalt  }
0x57: {  	_ =	shalt  }
0x58: {  	_ =	shalt  }
0x59: {  	_ =	shalt  }
0x5a: {  	_ =	shalt  }
0x5b: {  	_ =	shalt  }
0x5c: {  	_ =	shalt  }
0x5d: {  	_ =	shalt  }
0x5e: {  	_ =	shalt  }
0x5f: {  	_ =	shalt  }
0x60: {  	_ =	shalt  }
0x61: {  	_ =	shalt  }
0x62: {  	_ =	shalt  }
0x63: {  	_ =	shalt  }
0x64: {  	_ =	shalt  }
0x65: {  	_ =	shalt  }
0x66: {  	_ =	shalt  }
0x67: {  	_ =	shalt  }
0x68: {  	_ =	shalt  }
0x69: {  	_ =	shalt  }
0x6a: {  	_ =	shalt  }
0x6b: {  	_ =	shalt  }
0x6c: {  	_ =	shalt  }
0x6d: {  	_ =	shalt  }
0x6e: {  	_ =	shalt  }
0x6f: {  	_ =	shalt  }
0x70: {  	_ =	shalt  }
0x71: {  	_ =	shalt  }
0x72: {  	_ =	shalt  }
0x73: {  	_ =	shalt  }
0x74: {  	_ =	shalt  }
0x75: {  	_ =	shalt  }
0x76: {  	_ =	shalt  }
0x77: {  	_ =	shalt  }
0x78: {  	_ =	shalt  }
0x79: {  	_ =	shalt  }
0x7a: {  	_ =	shalt  }
0x7b: {  	_ =	shalt  }
0x7c: {  	_ =	shalt  }
0x7d: {  	_ =	shalt  }
0x7e: {  	_ =	shalt  }
0x7f: {  	_ =	shalt  }
0x80: {  	_ =	shalt  }
0x81: {  	_ =	shalt  }
0x82: {  	_ =	shalt  }
0x83: {  	_ =	shalt  }
0x84: {  	_ =	shalt  }
0x85: {  	_ =	shalt  }
0x86: {  	_ =	shalt  }
0x87: {  	_ =	shalt  }
.Lfunc_end0:
.L_simem_size_0:
called_computation.1_lowered:
.L_overlay_start_0:
0x88: {  	s2 =	sld [smem:$0x3FD9]  }
0x89: {  	s3 =	sld [smem:$0x3FFE];
	_ =	sdelay $0x1  }
0x8a: {  	s1 =	srdreg.scid  }
0x8b: {  	s0 =	sand.u32 $0x1, s1  }
0x8c: {  	s14 =	sshll.u32 s0, $0xA;
	s2 =	sadd.s32 s3, s2  }
0x8d: {  	s2 =	sadd.s32 s2, s14  }
0x8e: {  	[smem:$0x3FB9] =	sst s2  }
0x8f: {  	_ = 	snop  }
0x90: {  	s2 =	sld [smem:$0x3FD0];
	_ =	sdelay $0x2  }
0x91: {  	s15 =	simm.s32 $0xA;
	s4 =	simm.s32 $0x10  }
0x92: {  	[smem:s4], [sflag:s15] =	dma.local [hbm:s2], $0x1  }
0x93: {  	_ =	swait.eq [sflag:s15], $0x1  }
0x94: {  	[sflag:s15] =	ssyncset.done $0x0  }
0x95: {  	s16 =	sld [smem:$0x10];
	[sflag:s15] =	ssyncadd.s32 $0xFFFFFFFF  }
0x96: {  	s17 =	sld [smem:$0x11];
	(tm) =	ssettm $0x1  }
0x97: {  	s18 =	sld [smem:$0x3FFB];
	_ =	sdelay $0x3  }
0x98: {  	_ =	strace s18  }
0x99: {  	s4 =	sld [smem:$0x3FFC];
	_ =	sdelay $0x3  }
0x9a: {  	_ =	strace s4  }
0x9b: {  	s4 =	sld [smem:$0x3FFD];
	_ =	sdelay $0x3  }
0x9c: {  	_ =	strace s4  }
0x9d: {  	_ =	strace $0x8FFFFFFF  }
0x9e: {  	s19 =	sld [smem:$0x3FDB];
	_ =	sdelay $0x1  }
0x9f: {  	s5 =	simm.s32 $_scs_section_size  }
0xa0: {  	s6 =	simm.s32 $_size__tile_overlayer_lowered;
	s7 =	simm.s32 $_tile_overlayer_lowered  }
0xa1: {  	s22 =	simm.s32 $0x1BFF;
	s21 =	sshll.u32 s7, $0x1;
	s4 =	sadd.s32 s5, s19  }
0xa2: {  	s8 =	simm.s32 $0x0;
	s20 =	sshll.u32 s6, $0x1;
	s6 =	sadd.s32 s21, s4  }
0xa3: {  	[timem:s8], [sflag:s22] =	dma.local [hbm:s6], s20  }
0xa4: {  	_ =	swait.ge [sflag:s22], s20  }
0xa5: {  	s5 =	ssub.s32 $0x0, s20;
	[sflag:s22] =	ssyncset.done $0x0  }
0xa6: {  	[sflag:s22] =	ssyncadd.s32 s5;
	_ =	sdelay $0x1  }
0xa7: {  	s23 =	simm.s32 $0x1B8B  }
0xa8: {  	_ =	swait.ge [sflag:s23], $0x1  }
0xa9: {  	[sflag:s23] =	ssyncset.done $0x0  }
0xaa: {  	s25 =	simm.s32 $0x1B8E;
	s24 =	sld [smem:$0x3FFE];
	[sflag:s23] =	ssyncadd.s32 $0xFFFFFFFF  }
0xab: {  	s26 =	simm.s32 $execute0_lowered;
	[smem:$0x3FD2] =	sst s25  }
0xac: {  	s6 =	sshll.u32 s26, $0x1;
	_ =	strace $0x80000049;
	[dreg:$0x1] =	wrdreg $0xFFFFFFFF  }
0xad: {  	s28 =	simm.s32 $_size_execute0_lowered;
	s4 =	sadd.s32 s4, s6;
	[dreg:$0x0] =	wrdreg $0x0  }
0xae: {  	s6 =	sshll.u32 s28, $0x1;
	[dreg:$0x2] =	wrdreg s4  }
0xaf: {  	[dreg:$0x3] =	wrdreg s6  }
0xb0: {  	[dreg:$0x4] =	wrdreg $0xC0  }
0xb1: {  	_ =	task [dreg:s8], $0x5FFFF  }
0xb2: {  	[dreg:$0x1] =	wrdreg $0xFFFFFFFF  }
0xb3: {  	[dreg:$0x0] =	wrdreg $0x60  }
0xb4: {  	[dreg:$0x2] =	wrdreg s24  }
0xb5: {  	[dreg:$0x3] =	wrdreg s17  }
0xb6: {  	[dreg:$0x4] =	wrdreg s16  }
0xb7: {  	[dreg:$0x5] =	wrdreg $0x9  }
0xb8: {  	_ =	task.clear_ibuf [dreg:s8], $0x6FFFF;
	_ =	strace $0x90000049  }
0xb9: {  	s29 =	simm.s32 $0x9;
	_ =	strace $0x8000004B  }
0xba: {  	_ =	swait.ge [sflag:s29], $0x1  }
0xbb: {  	[sflag:s29] =	ssyncadd.s32 $0xFFFFFFFF  }
0xbc: {  	_ =	strace $0x9000004B  }
0xbd: {  	_ =	sfence  }
0xbe: {  	s30 =	sld [smem:$0x0];
	_ =	sdelay $0x2  }
0xbf: {  	s31 =	sshll.u32 s1, $0xD;
	s1 =	sshrl.u32 s1, $0x2  }
0xc0: {  	s3 =	sand.u32 $0x4000, s31;
	s1 =	sadd.s32 s1, s30  }
0xc1: {  	s0 =	sor.u32 s3, s0;
	s1 =	sshll.u32 s1, $0x11  }
0xc2: {  	s0 =	sor.u32 s1, s0  }
0xc3: {  	s0 =	sadd.s32 $0x8F2B, s0  }
0xc4: {  	[sflag:s0] =	ssyncadd.remote.s32 $0x1  }
0xc5: {  	_ =	sfence.sel $0xFFFF  }
0xc6: {  	[dreg:$0x0] =	wrdreg $0xFFFFFFFF;
	(pc) =	sbr.abs _section_cstart, $3  }
0xc7: {  	[dreg:$0x1] =	wrdreg $0xFFFFFFFF  }
0xc8: {  	_ =	task.clear_ibuf [dreg:s8], $0x2FFFF;
	_ =	strace $0x9FFFFFFF  }
0xc9: {  	(tm) =	ssettm $0x7FFFFFFF  }
tec
execute0_lowered:
.L_overlay_start_1:
0x0: {  	(tag) =	ssettag $0x1  }
0x1: {  	s0 =	srdreg.scid;
	s30 =	rddreg [dreg:$0x0]  }
0x2: {  	s4 =	stileid.u32;
	s8 =	rddreg [dreg:$0x1];
	s0 =	sand.u32 $0x1, s0  }
0x3: {  	s3 =	simm.s32 $0x1;
	s11 =	rddreg [dreg:$0x2];
	s1 =	sor.u32 s0, s4  }
0x4: {  	s2 =	simm.s32 $0x0;
	p1 =	seq.s32 s0, $0x1;
	p0 =	seq.s32 s1, $0x0  }
0x5: {  	s28 =	simm.s32 $0x5CC0;
	s29 =	simm.s32 $0x3CC0;
	p0 =	por !p0, !p1  }
0x6: {  	[smem:$0x7FF] =	sst s2;
	s5 =	sshll.u32 s0, $0x13;
	p0 =	por !p0, !p0  }
0x7: {  	_ =	strace $0x8000004A;
	s7 =	ssub.s32 $0x2, s0;
	s3 =	simm.s32 @!p0 $0x0  }
0x8: {  	s0 =	sshll.u32 s0, $0x8;
	s10 =	sshrl.u32 s7, $0x1;
	s14 =	ssub.s32 s4, s3  }
0x9: {  	s1 =	simm.s32 $0x0;
	s16 =	ssub.s32 s7, s10;
	s9 =	smul.u32 $0x600, s14  }
0xa: {  	s3 =	sadd.s32 $0x203800, s30;
	s4 =	sshll.u32 s14, $0x14;
	s12 =	smul.u32 $0x1800, s14  }
0xb: {  	s13 =	sshll.u32 s14, $0x9;
	s6 =	sor.u32 s5, s4;
	s4 =	sadd.s32 $0x403800, s30  }
0xc: {  	s5 =	simm.s32 $0x1;
	s7 =	sor.u32 s0, s13;
	s13 =	sadd.s32 $0x203900, s30  }
0xd: {  	s6 =	sshrl.u32 s6, $0x3;
	s31 =	sor.u32 s0, s9;
	s17 =	sshrl.u32 s12, $0x3  }
0xe: {  	s23 =	sshll.u32 s7, $0x8;
	s15 =	sadd.s32 s6, s30;
	s6 =	sadd.s32 $0x443800, s30  }
0xf: {  	s18 =	sshrl.u32 s31, $0x3;
	s19 =	sadd.s32 s8, s17;
	s21 =	sadd.s32 $0x200, s31  }
0x10: {  	s22 =	sadd.s32 $0x400, s31;
	s24 =	sand.u32 $0x1FFF0000, s23;
	s30 =	sshll.u32 s14, $0xB  }
0x11: {  	s31 =	smax.u32 s16, $0x1;
	s16 =	simm.s32 $0x4;
	s17 =	simm.s32 $0x1800  }
0x12: {  	s23 =	simm.s32 $0x1B00;
	[dreg:$0x4] =	wrdreg s19;
	s20 =	sadd.s32 s11, s18  }
0x13: {  	v0 =	vlaneseq.u32;
	s0 =	sshrl.u32 s21, $0x3;
	s8 =	sshrl.u32 s22, $0x3;
	[dreg:$0x9] =	wrdreg s31  }
0x14: {  	v1 =	vmul.u32 $0x8, v0;
	s26 =	sadd.s32 s3, s24;
	s15 =	sadd.s32 $0x3800, s15;
	[dreg:$0x5] =	wrdreg s20  }
0x15: {  	v3 =	vimm.f32 $0.0e+00;
	v4 =	vimm.s32 $0x0;
	v7 =	vor.u32 $0x10, v0;
	s21 =	simm.s32 $0x2;
	s0 =	sadd.s32 s11, s0;
	[dreg:$0x8] =	wrdreg s26  }
0x16: {  	v5 =	vor.u32 $0x1, v1;
	v6 =	vor.u32 $0x2, v1;
	v8 =	vor.u32 $0x80, v1;
	s24 =	simm.s32 $0x3BC0;
	s25 =	sadd.s32 s11, s8;
	[dreg:$0x6] =	wrdreg s0  }
0x17: {  	v9 =	vor.u32 $0x81, v1;
	v10 =	vor.u32 $0x82, v1;
	v2 =	vmov s30;
	s26 =	simm.s32 $0x80;
	[dreg:$0x7] =	wrdreg s25;
	s25 =	simm.s32 $0x3  }
.LBB2_1:
0x18: {  	[dreg:$0xa] =	wrdreg s1  }
0x19: {  	s0 =	rddreg [dreg:$0x4]  }
0x1a: {  	[tilespmem:s2], [sflag:$0x4] =	stream.linear.gather [hbm4b:s0+s2], $0x1800, $0x38;
	[tilespmem:$0x6D40] =	vst v63  }
0x1b: {  	_ =	swait.ge [sflag:s16], $0x1800  }
0x1c: {  	[sflag:s16] =	ssyncset.done $0x0  }
0x1d: {  	s12 =	rddreg [dreg:$0x5];
	[sflag:s16] =	ssyncadd.s32 $0xFFFFE800  }
0x1e: {  	[tilespmem:s17], [sflag:$0x4] =	stream.linear.gather [hbm4b:s12+s2], $0x100, $0x38;
	[tilespmem:$0x6D40] =	vst v63  }
0x1f: {  	_ =	swait.ge [sflag:s16], $0x100  }
0x20: {  	[sflag:s16] =	ssyncset.done $0x0  }
0x21: {  	s18 =	simm.s32 $0x1900;
	s14 =	rddreg [dreg:$0x6];
	[sflag:s16] =	ssyncadd.s32 $0xFFFFFF00  }
0x22: {  	[tilespmem:s18], [sflag:$0x4] =	stream.linear.gather [hbm4b:s14+s2], $0x100, $0x38;
	[tilespmem:$0x6D40] =	vst v63  }
0x23: {  	_ =	swait.ge [sflag:s16], $0x100  }
0x24: {  	[sflag:s16] =	ssyncset.done $0x0  }
0x25: {  	s20 =	simm.s32 $0x1A00;
	s19 =	rddreg [dreg:$0x7];
	[sflag:s16] =	ssyncadd.s32 $0xFFFFFF00  }
0x26: {  	[tilespmem:s20], [sflag:$0x4] =	stream.linear.gather [hbm4b:s19+s2], $0x100, $0x38;
	[tilespmem:$0x6D40] =	vst v63  }
0x27: {  	_ =	swait.ge [sflag:s16], $0x100  }
0x28: {  	[sflag:s16] =	ssyncset.done $0x0  }
0x29: {  	[sflag:s16] =	ssyncadd.s32 $0xFFFFFF00  }
0x2a: {  	[tilespmem:$0x3BC0] =	vst v3  }
0x2b: {  	[tilespmem:$0x3BD0] =	vst v3  }
0x2c: {  	[tilespmem:$0x3BE0] =	vst v3  }
0x2d: {  	[tilespmem:$0x3BF0] =	vst v3  }
0x2e: {  	[tilespmem:$0x3C00] =	vst v3  }
0x2f: {  	[tilespmem:$0x3C10] =	vst v3  }
0x30: {  	[tilespmem:$0x3C20] =	vst v3  }
0x31: {  	[tilespmem:$0x3C30] =	vst v3  }
0x32: {  	[tilespmem:$0x3C40] =	vst v3  }
0x33: {  	[tilespmem:$0x3C50] =	vst v3  }
0x34: {  	[tilespmem:$0x3C60] =	vst v3  }
0x35: {  	[tilespmem:$0x3C70] =	vst v3  }
0x36: {  	[tilespmem:$0x3C80] =	vst v3  }
0x37: {  	[tilespmem:$0x3C90] =	vst v3  }
0x38: {  	[tilespmem:$0x3CA0] =	vst v3  }
0x39: {  	s30 =	simm.s32 $0x5D40;
	s31 =	simm.s32 $0x0;
	s22 =	rddreg [dreg:$0x8];
	[tilespmem:$0x3CB0] =	vst v3  }
0x3a: {  	[tilespmem:s30], [sflag:$0x2] =	stream.linear.gather [hbm4b:s22+s2], $0x800, $0x38;
	[tilespmem:$0x6D40] =	vst v63  }
.LBB2_2:
0x3b: {  	s1 =	sshll.u32 s31, $0x1  }
0x3c: {  	s0 =	sor.u32 s7, s1;
	v11 =	vmov s1  }
0x3d: {  	_ =	swait.ge [sflag:s21], $0x800;
	s8 =	sshll.u32 s0, $0x8;
	v13 =	vor.u32 $0x100, v11  }
0x3e: {  	s19 =	simm.s32 $0x0;
	[sflag:s21] =	ssyncset.done $0x0;
	v14 =	vor.u32 $0x200, v11;
	s8 =	sand.u32 $0x1FFFFE00, s8  }
0x3f: {  	s9 =	simm.s32 $0x6540;
	[sflag:s21] =	ssyncadd.s32 $0xFFFFF800;
	s8 =	sadd.s32 s8, s13  }
0x40: {  	[tilespmem:s9], [sflag:$0x3] =	stream.linear.gather [hbm4b:s8+s19], $0x800, $0x38;
	[tilespmem:$0x6D40] =	vst v63  }
0x41: {  	v12 =	vld.idx.msk [tilespmem:v11+s17+$0x0], $0xffff  }
0x42: {  	v13 =	vld.idx.msk [tilespmem:v13+s17+$0x0], $0xffff  }
0x43: {  	s18 =	simm.s32 $0x5D80;
	s20 =	simm.s32 $0x0;
	s8 =	simm.s32 $0x0;
	v11 =	vld.idx.msk [tilespmem:v14+s17+$0x0], $0xffff  }
.LBB2_3:
0x44: {  	v14 =	vld [tilespmem:s18+$0xFFFFFFC0]  }
0x45: {  	v15 =	vld [tilespmem:s18+$0xFFFFFFD0]  }
0x46: {  	v16 =	vld [tilespmem:s18+$0xFFFFFFE0]  }
0x47: {  	v17 =	vld [tilespmem:s18+$0xFFFFFFF0]  }
0x48: {  	v18 =	vld [tilespmem:s18+$0x0]  }
0x49: {  	vm7 =	vle.f32 v14, $3.999999910e-02;
	v14 =	vld [tilespmem:s18+$0x10]  }
0x4a: {  	vm6 =	vle.f32 v15, $3.999999910e-02;
	v15 =	vld [tilespmem:s18+$0x20];
	v19 =	vsel vm7, $0x1, v4  }
0x4b: {  	v61 =	vld [tilespmem:s18+$0x30];
	vm5 =	vle.f32 v16, $3.999999910e-02;
	v60 =	vsel vm6, $0x1, v4;
	(xrf0) =	vadd.scan.msk.s32 $0xffff, v19  }
0x4c: {  	vm4 =	vle.f32 v17, $3.999999910e-02;
	v62 =	vsel vm5, $0x1, v4;
	(xrf0) =	vadd.scan.msk.s32 $0xffff, v60  }
0x4d: {  	vm3 =	vle.f32 v18, $3.999999910e-02;
	v63 =	vsel vm4, $0x1, v4;
	(xrf0) =	vadd.scan.msk.s32 $0xffff, v62  }
0x4e: {  	(xrf0) =	vadd.scan.msk.s32 $0xffff, v63;
	vm0 =	vle.f32 v14, $3.999999910e-02;
	v14 =	vsel vm3, $0x1, v4  }
0x4f: {  	vm1 =	vle.f32 v15, $3.999999910e-02;
	(xrf0) =	vadd.scan.msk.s32 $0xffff, v14;
	v14 =	vsel vm0, $0x1, v4  }
0x50: {  	vm2 =	vle.f32 v61, $3.999999910e-02;
	(xrf0) =	vadd.scan.msk.s32 $0xffff, v14;
	v14 =	vsel vm1, $0x1, v4  }
0x51: {  	v15, _, _ =	vpop (xrf0);
	(xrf0) =	vadd.scan.msk.s32 $0xffff, v14;
	v14 =	vsel vm2, $0x1, v4;
	_ =	sdelay $0x1  }
0x52: {  	(v2sf) =	vpush v15, $0xF;
	v15, _, _ =	vpop (xrf0);
	(xrf0) =	vadd.scan.msk.s32 $0xffff, v14  }
0x53: {  	(v2sf) =	vpush v15, $0xF;
	v14, _, _ =	vpop (xrf0)  }
0x54: {  	v15, _, _ =	vpop (xrf0);
	(v2sf) =	vpush v14, $0xF  }
0x55: {  	v14, _, _ =	vpop (xrf0);
	(v2sf) =	vpush v15, $0xF  }
0x56: {  	v15, _, _ =	vpop (xrf0);
	(v2sf) =	vpush v14, $0xF  }
0x57: {  	v14, _, _ =	vpop (xrf0);
	(v2sf) =	vpush v15, $0xF  }
0x58: {  	(v2sf) =	vpush v14, $0xF;
	v14, _, _ =	vpop (xrf0)  }
0x59: {  	(v2sf) =	vpush v14, $0xF;
	_ =	sdelay $0x7  }
0x5a: {  	s9 =	spop (v2sf)  }
0x5b: {  	s10 =	spop (v2sf);
	s9 =	sadd.s32 s8, s9  }
0x5c: {  	s10 =	sadd.s32 s10, s9;
	s11 =	spop (v2sf)  }
0x5d: {  	s14 =	sadd.s32 $0x10, s20;
	v14 =	vor.u32 s20, v0;
	s12 =	spop (v2sf);
	s11 =	sadd.s32 s11, s10  }
0x5e: {  	s22 =	sadd.s32 $0x20, s20;
	[tilespmem:s8+$0x1B00] =	vst.msk vm7, v14;
	v14 =	vor.u32 s14, v0;
	s30 =	spop (v2sf);
	s8 =	sadd.s32 s12, s11  }
0x5f: {  	s14 =	sadd.s32 $0x30, s20;
	[tilespmem:s9+$0x1B00] =	vst.msk vm6, v14;
	v14 =	vor.u32 s22, v0;
	s12 =	spop (v2sf);
	s9 =	sadd.s32 s30, s8  }
0x60: {  	[tilespmem:s10+$0x1B00] =	vst.msk vm5, v14;
	v14 =	vor.u32 s14, v0;
	s30 =	sadd.s32 $0x40, s20;
	s22 =	spop (v2sf);
	s10 =	sadd.s32 s12, s9  }
0x61: {  	[tilespmem:s11+$0x1B00] =	vst.msk vm4, v14;
	v14 =	vor.u32 s30, v0;
	s14 =	spop (v2sf);
	s11 =	sadd.s32 s22, s10  }
0x62: {  	p0 =	sgt.u32 s19, $0x77;
	[tilespmem:s8+$0x1B00] =	vst.msk vm3, v14;
	s8 =	sadd.s32 s14, s11  }
0x63: {  	p1 =	slt.s32 @!p0 s8, $0x20  }
0x64: {  	p0 =	por p0, !p1  }
.Ltmp0:
0x65: {  	s12 =	sadd.s32 $0x50, s20;
	(pc) =	sbr.rel @!p0 .LBB2_3-.Ltmp0, $4  }
0x66: {  	s22 =	sadd.s32 $0x60, s20;
	v14 =	vor.u32 s12, v0  }
0x67: {  	s30 =	sadd.s32 $0x70, s20;
	[tilespmem:s9+$0x1B00] =	vst.msk vm0, v14;
	v14 =	vor.u32 s22, v0  }
0x68: {  	[tilespmem:s10+$0x1B00] =	vst.msk vm1, v14;
	v14 =	vor.u32 s30, v0  }
0x69: {  	s19 =	sadd.s32 $0x8, s19;
	s18 =	sadd.s32 $0x80, s18;
	s20 =	sadd.s32 $0x80, s20;
	[tilespmem:s11+$0x1B00] =	vst.msk vm2, v14  }
0x6a: {  	v14 =	vmov s8  }
0x6b: {  	vm0 =	vgt.s32 v14, v0  }
0x6c: {  	v15 =	vnsel vm0, $0x0, v0;
	_ =	sdelay $0x4  }
0x6d: {  	v15 =	vld.idx.msk [tilespmem:v15+s23+$0x0], $0xffff;
	_ =	sdelay $0x3  }
0x6e: {  	vm15 =	vgt.s32 v14, $0x0  }
0x6f: {  	v15 =	vnsel vm15, $0x7FF, v15  }
0x70: {  	v16 =	vadd.s32 $0x800, v15  }
0x71: {  	v17 =	vadd.s32 $0x1000, v15;
	_ =	sdelay $0x2  }
0x72: {  	v18 =	vld.idx.msk [tilespmem:v15+s2+$0x0], $0xffff  }
0x73: {  	v16 =	vld.idx.msk [tilespmem:v16+s2+$0x0], $0xffff  }
0x74: {  	v17 =	vld.idx.msk [tilespmem:v17+s2+$0x0], $0xffff;
	_ =	sdelay $0x2  }
0x75: {  	vm1 =	vgt.s32 v14, v7;
	v18 =	vsub.f32 v18, v12  }
0x76: {  	v62 =	vnsel vm1, $0x0, v7;
	v14 =	vsub.f32 v16, v13  }
0x77: {  	v17 =	vsub.f32 v17, v11;
	[tilespmem:v1+s24+$0x0] =	vst.idx.msk $0xffff, v18  }
0x78: {  	s30 =	sshll.u32 s31, $0x6;
	[tilespmem:v5+s24+$0x0] =	vst.idx.msk $0xffff, v14  }
0x79: {  	s8 =	sand.u32 $0x3FFFFFC0, s30;
	v14 =	vadd.s32 v2, v15;
	[tilespmem:v6+s24+$0x0] =	vst.idx.msk $0xffff, v17  }
0x7a: {  	[tilespmem:s8+$0x1BC0] =	vst v14  }
0x7b: {  	v14 =	vld.idx.msk [tilespmem:v62+s23+$0x0], $0xffff;
	_ =	sdelay $0x4  }
0x7c: {  	v14 =	vnsel vm15, $0x7FF, v14  }
0x7d: {  	v15 =	vadd.s32 $0x800, v14  }
0x7e: {  	v63 =	vadd.s32 $0x1000, v14;
	_ =	sdelay $0x2  }
0x7f: {  	v17 =	vld.idx.msk [tilespmem:v14+s2+$0x0], $0xffff  }
0x80: {  	v15 =	vld.idx.msk [tilespmem:v15+s2+$0x0], $0xffff  }
0x81: {  	v16 =	vld.idx.msk [tilespmem:v63+s2+$0x0], $0xffff;
	_ =	sdelay $0x2  }
0x82: {  	v12 =	vsub.f32 v17, v12  }
0x83: {  	v13 =	vsub.f32 v15, v13  }
0x84: {  	v11 =	vsub.f32 v16, v11;
	[tilespmem:v8+s24+$0x0] =	vst.idx.msk $0xffff, v12  }
0x85: {  	s0 =	sshll.u32 s0, $0x5;
	[tilespmem:v9+s24+$0x0] =	vst.idx.msk $0xffff, v13  }
0x86: {  	s0 =	sand.u32 $0x1FFFFFC0, s0;
	[tilespmem:v10+s24+$0x0] =	vst.idx.msk $0xffff, v11;
	v11 =	vadd.s32 v2, v14  }
0x87: {  	s0 =	sadd.s32 s6, s0;
	[tilespmem:s8+$0x1BD0] =	vst v11  }
0x88: {  	[hbm4b:s0+s2] =	stream.linear.scatter [tilespmem:s24], [sflag:$0x4], $0x100, $0x38;
	[tilespmem:$0x6D40] =	vst v63  }
0x89: {  	s0 =	sor.u32 $0x1, s1;
	_ =	swait.ge [sflag:s16], $0x100  }
0x8a: {  	p0 =	seq.s32 s31, $0x7F;
	s1 =	sor.u32 s7, s0;
	[sflag:s16] =	ssyncset.done $0x0  }
0x8b: {  	v11 =	vmov s0;
	s8 =	sshll.u32 @!p0 s1, $0xB;
	[sflag:s16] =	ssyncadd.s32 $0xFFFFFF00  }
0x8c: {  	v12 =	vor.u32 $0x100, v11;
	s8 =	sadd.s32 @!p0 $0x800, s8;
	_ =	swait.ge [sflag:s25], $0x800  }
0x8d: {  	s9 =	simm.s32 @!p0 $0x0;
	v13 =	vor.u32 $0x200, v11;
	s8 =	sshrl.u32 @!p0 s8, $0x3;
	[sflag:s25] =	ssyncset.done $0x0  }
0x8e: {  	s10 =	simm.s32 @!p0 $0x5D40;
	s8 =	sadd.s32 @!p0 s3, s8;
	[sflag:s25] =	ssyncadd.s32 $0xFFFFF800  }
0x8f: {  	[tilespmem:s10], [sflag:$0x2] =	stream.linear.gather @!p0 [hbm4b:s8+s9], $0x800, $0x38;
	[tilespmem:$0x6D40] =	vst v63  }
0x90: {  	v11 =	vld.idx.msk [tilespmem:v11+s17+$0x0], $0xffff  }
0x91: {  	s20 =	simm.s32 $0x0;
	v12 =	vld.idx.msk [tilespmem:v12+s17+$0x0], $0xffff  }
0x92: {  	s18 =	simm.s32 $0x70;
	s19 =	simm.s32 $0x65B0;
	s8 =	simm.s32 $0x0;
	v13 =	vld.idx.msk [tilespmem:v13+s17+$0x0], $0xffff  }
.LBB2_5:
0x93: {  	v14 =	vld [tilespmem:s19+$0xFFFFFF90]  }
0x94: {  	v15 =	vld [tilespmem:s19+$0xFFFFFFA0]  }
0x95: {  	v16 =	vld [tilespmem:s19+$0xFFFFFFB0]  }
0x96: {  	v17 =	vld [tilespmem:s19+$0xFFFFFFC0]  }
0x97: {  	v18 =	vld [tilespmem:s19+$0xFFFFFFD0]  }
0x98: {  	vm7 =	vle.f32 v14, $3.999999910e-02;
	v14 =	vld [tilespmem:s19+$0xFFFFFFE0]  }
0x99: {  	vm6 =	vle.f32 v15, $3.999999910e-02;
	v15 =	vld [tilespmem:s19+$0xFFFFFFF0];
	v19 =	vsel vm7, $0x1, v4  }
0x9a: {  	v61 =	vld [tilespmem:s19+$0x0];
	vm5 =	vle.f32 v16, $3.999999910e-02;
	v60 =	vsel vm6, $0x1, v4;
	(xrf0) =	vadd.scan.msk.s32 $0xffff, v19  }
0x9b: {  	vm4 =	vle.f32 v17, $3.999999910e-02;
	v62 =	vsel vm5, $0x1, v4;
	(xrf0) =	vadd.scan.msk.s32 $0xffff, v60  }
0x9c: {  	vm3 =	vle.f32 v18, $3.999999910e-02;
	v63 =	vsel vm4, $0x1, v4;
	(xrf0) =	vadd.scan.msk.s32 $0xffff, v62  }
0x9d: {  	(xrf0) =	vadd.scan.msk.s32 $0xffff, v63;
	vm0 =	vle.f32 v14, $3.999999910e-02;
	v14 =	vsel vm3, $0x1, v4  }
0x9e: {  	vm1 =	vle.f32 v15, $3.999999910e-02;
	(xrf0) =	vadd.scan.msk.s32 $0xffff, v14;
	v14 =	vsel vm0, $0x1, v4  }
0x9f: {  	vm2 =	vle.f32 v61, $3.999999910e-02;
	(xrf0) =	vadd.scan.msk.s32 $0xffff, v14;
	v14 =	vsel vm1, $0x1, v4  }
0xa0: {  	v15, _, _ =	vpop (xrf0);
	(xrf0) =	vadd.scan.msk.s32 $0xffff, v14;
	v14 =	vsel vm2, $0x1, v4;
	_ =	sdelay $0x1  }
0xa1: {  	(v2sf) =	vpush v15, $0xF;
	v15, _, _ =	vpop (xrf0);
	(xrf0) =	vadd.scan.msk.s32 $0xffff, v14  }
0xa2: {  	(v2sf) =	vpush v15, $0xF;
	v14, _, _ =	vpop (xrf0)  }
0xa3: {  	v15, _, _ =	vpop (xrf0);
	(v2sf) =	vpush v14, $0xF  }
0xa4: {  	v14, _, _ =	vpop (xrf0);
	(v2sf) =	vpush v15, $0xF  }
0xa5: {  	v15, _, _ =	vpop (xrf0);
	(v2sf) =	vpush v14, $0xF  }
0xa6: {  	v14, _, _ =	vpop (xrf0);
	(v2sf) =	vpush v15, $0xF  }
0xa7: {  	(v2sf) =	vpush v14, $0xF;
	v14, _, _ =	vpop (xrf0)  }
0xa8: {  	(v2sf) =	vpush v14, $0xF;
	_ =	sdelay $0x7  }
0xa9: {  	s9 =	spop (v2sf)  }
0xaa: {  	s10 =	spop (v2sf);
	s9 =	sadd.s32 s8, s9  }
0xab: {  	s12 =	sadd.s32 $0xFFFFFF90, s18;
	s10 =	sadd.s32 s10, s9;
	s11 =	spop (v2sf)  }
0xac: {  	s22 =	sadd.s32 $0xFFFFFFA0, s18;
	v14 =	vor.u32 s12, v0;
	s14 =	spop (v2sf);
	s11 =	sadd.s32 s11, s10  }
0xad: {  	s30 =	sadd.s32 $0xFFFFFFB0, s18;
	[tilespmem:s8+$0x1B00] =	vst.msk vm7, v14;
	v14 =	vor.u32 s22, v0;
	s12 =	spop (v2sf);
	s8 =	sadd.s32 s14, s11  }
0xae: {  	s22 =	sadd.s32 $0xFFFFFFC0, s18;
	[tilespmem:s9+$0x1B00] =	vst.msk vm6, v14;
	v14 =	vor.u32 s30, v0;
	s14 =	spop (v2sf);
	s9 =	sadd.s32 s12, s8  }
0xaf: {  	s30 =	sadd.s32 $0xFFFFFFD0, s18;
	[tilespmem:s10+$0x1B00] =	vst.msk vm5, v14;
	v14 =	vor.u32 s22, v0;
	s12 =	spop (v2sf);
	s10 =	sadd.s32 s14, s9  }
0xb0: {  	[tilespmem:s11+$0x1B00] =	vst.msk vm4, v14;
	v14 =	vor.u32 s30, v0;
	s22 =	spop (v2sf);
	s11 =	sadd.s32 s12, s10  }
0xb1: {  	p0 =	sgt.u32 s20, $0x77;
	[tilespmem:s8+$0x1B00] =	vst.msk vm3, v14;
	s8 =	sadd.s32 s22, s11  }
0xb2: {  	p1 =	slt.s32 @!p0 s8, $0x20  }
0xb3: {  	p0 =	por p0, !p1  }
.Ltmp1:
0xb4: {  	s14 =	sadd.s32 $0xFFFFFFE0, s18;
	(pc) =	sbr.rel @!p0 .LBB2_5-.Ltmp1, $4  }
0xb5: {  	s30 =	sadd.s32 $0xFFFFFFF0, s18;
	v14 =	vor.u32 s14, v0  }
0xb6: {  	[tilespmem:s9+$0x1B00] =	vst.msk vm0, v14;
	v14 =	vor.u32 s30, v0  }
0xb7: {  	[tilespmem:s10+$0x1B00] =	vst.msk vm1, v14;
	v14 =	vor.u32 s18, v0  }
0xb8: {  	s20 =	sadd.s32 $0x8, s20;
	s19 =	sadd.s32 $0x80, s19;
	s18 =	sadd.s32 $0x80, s18;
	[tilespmem:s11+$0x1B00] =	vst.msk vm2, v14  }
0xb9: {  	v14 =	vmov s8  }
0xba: {  	vm0 =	vgt.s32 v14, v0  }
0xbb: {  	v15 =	vnsel vm0, $0x0, v0;
	_ =	sdelay $0x4  }
0xbc: {  	v15 =	vld.idx.msk [tilespmem:v15+s23+$0x0], $0xffff;
	_ =	sdelay $0x3  }
0xbd: {  	vm15 =	vgt.s32 v14, $0x0  }
0xbe: {  	v15 =	vnsel vm15, $0x7FF, v15  }
0xbf: {  	v16 =	vadd.s32 $0x800, v15  }
0xc0: {  	v17 =	vadd.s32 $0x1000, v15;
	_ =	sdelay $0x1  }
0xc1: {  	s22 =	simm.s32 $0x0  }
0xc2: {  	v18 =	vld.idx.msk [tilespmem:v15+s22+$0x0], $0xffff  }
0xc3: {  	v16 =	vld.idx.msk [tilespmem:v16+s22+$0x0], $0xffff  }
0xc4: {  	v17 =	vld.idx.msk [tilespmem:v17+s22+$0x0], $0xffff;
	_ =	sdelay $0x2  }
0xc5: {  	vm1 =	vgt.s32 v14, v7;
	v18 =	vsub.f32 v18, v11  }
0xc6: {  	v59 =	vnsel vm1, $0x0, v7;
	v58 =	vsub.f32 v16, v12  }
0xc7: {  	v17 =	vsub.f32 v17, v13;
	[tilespmem:v1+s24+$0x0] =	vst.idx.msk $0xffff, v18  }
0xc8: {  	s0 =	sshll.u32 s0, $0x5;
	[tilespmem:v5+s24+$0x0] =	vst.idx.msk $0xffff, v58  }
0xc9: {  	s0 =	sand.u32 $0x3FFFFFE0, s0;
	v60 =	vadd.s32 v2, v15;
	[tilespmem:v6+s24+$0x0] =	vst.idx.msk $0xffff, v17  }
0xca: {  	[tilespmem:s0+$0x1BC0] =	vst v60  }
0xcb: {  	v14 =	vld.idx.msk [tilespmem:v59+s23+$0x0], $0xffff;
	_ =	sdelay $0x4  }
0xcc: {  	v14 =	vnsel vm15, $0x7FF, v14  }
0xcd: {  	v61 =	vadd.s32 $0x800, v14  }
0xce: {  	v62 =	vadd.s32 $0x1000, v14;
	_ =	sdelay $0x2  }
0xcf: {  	v17 =	vld.idx.msk [tilespmem:v14+s22+$0x0], $0xffff  }
0xd0: {  	v15 =	vld.idx.msk [tilespmem:v61+s22+$0x0], $0xffff  }
0xd1: {  	v16 =	vld.idx.msk [tilespmem:v62+s22+$0x0], $0xffff;
	_ =	sdelay $0x2  }
0xd2: {  	v11 =	vsub.f32 v17, v11  }
0xd3: {  	v63 =	vsub.f32 v15, v12  }
0xd4: {  	[tilespmem:v8+s24+$0x0] =	vst.idx.msk $0xffff, v11;
	v11 =	vsub.f32 v16, v13  }
0xd5: {  	s1 =	sshll.u32 s1, $0x5;
	s31 =	sadd.s32 $0x1, s31;
	[tilespmem:v9+s24+$0x0] =	vst.idx.msk $0xffff, v63  }
0xd6: {  	s1 =	sand.u32 $0x1FFFFFE0, s1;
	p0 =	sne.s32 s31, $0x80;
	[tilespmem:v10+s24+$0x0] =	vst.idx.msk $0xffff, v11;
	v11 =	vadd.s32 v2, v14  }
.Ltmp2:
0xd7: {  	s30 =	sadd.s32 s6, s1;
	[tilespmem:s0+$0x1BD0] =	vst v11;
	(pc) =	sbr.rel @p0 .LBB2_2-.Ltmp2, $4  }
0xd8: {  	[hbm4b:s30+s22] =	stream.linear.scatter [tilespmem:s24], [sflag:$0x4], $0x100, $0x38;
	[tilespmem:$0x6D40] =	vst v63  }
0xd9: {  	_ =	swait.ge [sflag:s16], $0x100  }
0xda: {  	[sflag:s16] =	ssyncset.done $0x0  }
0xdb: {  	[sflag:s16] =	ssyncadd.s32 $0xFFFFFF00  }
0xdc: {  	s0 =	simm.s32 $0x1C00  }
0xdd: {  	v11 =	vld [tilespmem:s0+$0xFFFFFFC0];
	_ =	sdelay $0x4  }
0xde: {  	[tilespmem:$0x5CC0] =	vst v11  }
0xdf: {  	v11 =	vld [tilespmem:s0+$0xFFFFFFD0];
	_ =	sdelay $0x4  }
0xe0: {  	[tilespmem:$0x5CD0] =	vst v11  }
0xe1: {  	v11 =	vld [tilespmem:s0+$0xFFFFFFE0];
	_ =	sdelay $0x4  }
0xe2: {  	[tilespmem:$0x5CE0] =	vst v11  }
0xe3: {  	v11 =	vld [tilespmem:s0+$0xFFFFFFF0];
	_ =	sdelay $0x4  }
0xe4: {  	[tilespmem:$0x5CF0] =	vst v11  }
0xe5: {  	v11 =	vld [tilespmem:s0+$0x0];
	_ =	sdelay $0x4  }
0xe6: {  	[tilespmem:$0x5D00] =	vst v11  }
0xe7: {  	v11 =	vld [tilespmem:s0+$0x10];
	_ =	sdelay $0x4  }
0xe8: {  	[tilespmem:$0x5D10] =	vst v11  }
0xe9: {  	v11 =	vld [tilespmem:s0+$0x20];
	_ =	sdelay $0x4  }
0xea: {  	[tilespmem:$0x5D20] =	vst v11  }
0xeb: {  	v11 =	vld [tilespmem:s0+$0x30];
	_ =	sdelay $0x4  }
0xec: {  	[tilespmem:$0x5D30] =	vst v11  }
0xed: {  	[tilespmem:s29], [sflag:$0x1] =	stream.indirect.gather [hbm4b:s4+s26], $0x40, s28, s26, $0xb8;
	[tilespmem:$0x6D40] =	vst v63  }
0xee: {  	_ =	swait.ge [sflag:s5], $0x2000  }
0xef: {  	[sflag:s5] =	ssyncset.done $0x0  }
0xf0: {  	s1 =	sadd.s32 $0x0, s15;
	[sflag:s5] =	ssyncadd.s32 $0xFFFFE000  }
0xf1: {  	[hbm4b:s1+s2] =	stream.linear.scatter [tilespmem:s29], [sflag:$0x4], $0x2000, $0x38;
	[tilespmem:$0x6D40] =	vst v63  }
0xf2: {  	_ =	swait.ge [sflag:s16], $0x2000  }
0xf3: {  	s1 =	simm.s32 $0x400;
	[sflag:s16] =	ssyncset.done $0x0  }
.LBB2_8:
0xf4: {  	p0 =	sne.s32 s1, $0xFC00;
	[sflag:s16] =	ssyncadd.s32 $0xFFFFE000;
	s0 =	sadd.s32 $0x80, s0  }
0xf5: {  	s8 =	smov.u32 s1;
	s1 =	sadd.s32 $0x400, s1;
	v11 =	vld [tilespmem:s0+$0xFFFFFFC0];
	_ =	sdelay $0x4  }
0xf6: {  	[tilespmem:$0x5CC0] =	vst v11  }
0xf7: {  	v11 =	vld [tilespmem:s0+$0xFFFFFFD0];
	_ =	sdelay $0x4  }
0xf8: {  	[tilespmem:$0x5CD0] =	vst v11  }
0xf9: {  	v11 =	vld [tilespmem:s0+$0xFFFFFFE0];
	_ =	sdelay $0x4  }
0xfa: {  	[tilespmem:$0x5CE0] =	vst v11  }
0xfb: {  	v11 =	vld [tilespmem:s0+$0xFFFFFFF0];
	_ =	sdelay $0x4  }
0xfc: {  	[tilespmem:$0x5CF0] =	vst v11  }
0xfd: {  	v11 =	vld [tilespmem:s0+$0x0];
	_ =	sdelay $0x4  }
0xfe: {  	[tilespmem:$0x5D00] =	vst v11  }
0xff: {  	v11 =	vld [tilespmem:s0+$0x10];
	_ =	sdelay $0x4  }
0x100: {  	[tilespmem:$0x5D10] =	vst v11  }
0x101: {  	v11 =	vld [tilespmem:s0+$0x20];
	_ =	sdelay $0x4  }
0x102: {  	[tilespmem:$0x5D20] =	vst v11  }
0x103: {  	v11 =	vld [tilespmem:s0+$0x30];
	_ =	sdelay $0x4  }
0x104: {  	[tilespmem:$0x5D30] =	vst v11  }
0x105: {  	[tilespmem:s29], [sflag:$0x1] =	stream.indirect.gather [hbm4b:s4+s26], $0x40, s28, s26, $0xb8;
	[tilespmem:$0x6D40] =	vst v63  }
0x106: {  	_ =	swait.ge [sflag:s5], $0x2000  }
.Ltmp3:
0x107: {  	[sflag:s5] =	ssyncset.done $0x0;
	(pc) =	sbr.rel @p0 .LBB2_8-.Ltmp3, $4  }
0x108: {  	s8 =	sadd.s32 s8, s15;
	[sflag:s5] =	ssyncadd.s32 $0xFFFFE000  }
0x109: {  	[hbm4b:s8+s2] =	stream.linear.scatter [tilespmem:s29], [sflag:$0x4], $0x2000, $0x38;
	[tilespmem:$0x6D40] =	vst v63  }
0x10a: {  	_ =	swait.ge [sflag:s16], $0x2000  }
0x10b: {  	[sflag:s16] =	ssyncset.done $0x0  }
0x10c: {  	s1 =	rddreg [dreg:$0xa]  }
0x10d: {  	s0 =	rddreg [dreg:$0x9];
	s1 =	sadd.s32 $0x1, s1  }
0x10e: {  	p0 =	sne.s32 s1, s0  }
.Ltmp4:
0x10f: {  	_ = 	snop;
	(pc) =	sbr.rel @p0 .LBB2_1-.Ltmp4, $2  }
0x110: {  	_ =	sdelay $0x2  }
0x111: {  	[sflag:s16] =	ssyncadd.s32 $0xFFFFE000  }
0x112: {  	_ =	sfence.sel $0x180000  }
0x113: {  	[bflag:$0x0] =	sbarrier.arrive $0xFFFF  }
0x114: {  	_ =	strace $0x9000004A  }
0x115: {  	s0 =	stileid.u32;
	[bflag:$0x2] =	sbarrier.arrive $0xFFFF  }
0x116: {  	p0 =	sne.s32 s0, $0x0;
	s0 =	rddreg [dreg:$0x3]  }
0x117: {  	s0 =	sadd.s32 @!p0 $0x100000, s0  }
0x118: {  	[sflag:s0] =	ssyncadd.tile.s32 @!p0 $0x1;
	_ =	shalt  }
.Lfunc_end2:
_tile_overlayer_lowered:
.L_overlay_start_2:
0x119: {  	(tag) =	ssettag $0x2  }
0x11a: {  	s0 =	rddreg [dreg:$0x0];
	s2 =	stileid.u32  }
0x11b: {  	s1 =	rddreg [dreg:$0x1];
	p0 =	sne.s32 s2, $0x0  }
0x11c: {  	s3 =	rddreg [dreg:$0x2];
	[bflag:$0x3] =	sbarrier.arrive $0xFFFF;
	s2 =	simm.s32 @!p0 $0x1C04  }
0x11d: {  	[timem:s3], [sflag:s2] =	dma.local @!p0 [hbm:s0], s1  }
0x11e: {  	s0 =	simm.s32 @!p0 $0x4  }
0x11f: {  	_ =	swait.ge @!p0 [sflag:s0], s1  }
0x120: {  	s1 =	ssub.s32 @!p0 $0x0, s1;
	[sflag:s0] =	ssyncset.done @!p0 $0x0  }
0x121: {  	[sflag:s0] =	ssyncadd.s32 @!p0 s1  }
0x122: {  	[bflag:$0x3] =	sbarrier.arrive $0xFFFF  }
0x123: {  	_ =	shalt  }

// kernel: sparse-core-data-format-call.cloned.1.call-start
scs
called_computation_lowered:
.L_overlay_start_0:
0x0: {  	s1 =	sld [smem:$0x3FD9]  }
0x1: {  	s2 =	sld [smem:$0x3FFE];
	_ =	sdelay $0x1  }
0x2: {  	s3 =	srdreg.scid  }
0x3: {  	s0 =	sand.u32 $0x1, s3  }
0x4: {  	s17 =	sshll.u32 s0, $0xA;
	s1 =	sadd.s32 s2, s1  }
0x5: {  	s1 =	sadd.s32 s1, s17  }
0x6: {  	[smem:$0x3FB9] =	sst s1  }
0x7: {  	_ = 	snop  }
0x8: {  	(tm) =	ssettm $0x1  }
0x9: {  	s18 =	sld [smem:$0x3FFB];
	_ =	sdelay $0x3  }
0xa: {  	_ =	strace s18  }
0xb: {  	s1 =	sld [smem:$0x3FFC];
	_ =	sdelay $0x3  }
0xc: {  	_ =	strace s1  }
0xd: {  	s1 =	sld [smem:$0x3FFD];
	_ =	sdelay $0x3  }
0xe: {  	_ =	strace s1  }
0xf: {  	_ =	strace $0x8FFFFFFF  }
0x10: {  	s19 =	sld [smem:$0x3FDB];
	_ =	sdelay $0x1  }
0x11: {  	s20 =	simm.s32 $_scs_section_size  }
0x12: {  	s4 =	simm.s32 $_size__tile_overlayer_lowered;
	s5 =	simm.s32 $_tile_overlayer_lowered  }
0x13: {  	s23 =	simm.s32 $0x1BFF;
	s22 =	sshll.u32 s5, $0x1;
	s1 =	sadd.s32 s20, s19  }
0x14: {  	s6 =	simm.s32 $0x0;
	s21 =	sshll.u32 s4, $0x1;
	s4 =	sadd.s32 s22, s1  }
0x15: {  	[timem:s6], [sflag:s23] =	dma.local [hbm:s4], s21  }
0x16: {  	_ =	swait.ge [sflag:s23], s21  }
0x17: {  	s2 =	ssub.s32 $0x0, s21;
	[sflag:s23] =	ssyncset.done $0x0  }
0x18: {  	[sflag:s23] =	ssyncadd.s32 s2;
	_ =	sdelay $0x1  }
0x19: {  	s24 =	simm.s32 $0x1B8B  }
0x1a: {  	_ =	swait.ge [sflag:s24], $0x1  }
0x1b: {  	[sflag:s24] =	ssyncset.done $0x0  }
0x1c: {  	s26 =	simm.s32 $0x1B8E;
	s25 =	sld [smem:$0x3FFE];
	[sflag:s24] =	ssyncadd.s32 $0xFFFFFFFF  }
0x1d: {  	s27 =	simm.s32 $execute0_lowered;
	[smem:$0x3FD2] =	sst s26  }
0x1e: {  	s4 =	sshll.u32 s27, $0x1;
	_ =	strace $0x80000046;
	[dreg:$0x1] =	wrdreg $0xFFFFFFFF  }
0x1f: {  	s28 =	simm.s32 $_size_execute0_lowered;
	s1 =	sadd.s32 s1, s4;
	[dreg:$0x0] =	wrdreg $0x0  }
0x20: {  	s4 =	sshll.u32 s28, $0x1;
	[dreg:$0x2] =	wrdreg s1  }
0x21: {  	[dreg:$0x3] =	wrdreg s4  }
0x22: {  	[dreg:$0x4] =	wrdreg $0xC0  }
0x23: {  	_ =	task [dreg:s6], $0x5FFFF  }
0x24: {  	[dreg:$0x1] =	wrdreg $0xFFFFFFFF  }
0x25: {  	[dreg:$0x0] =	wrdreg $0x60  }
0x26: {  	[dreg:$0x2] =	wrdreg s25  }
0x27: {  	[dreg:$0x3] =	wrdreg $0x9  }
0x28: {  	_ =	task.clear_ibuf [dreg:s6], $0x4FFFF;
	_ =	strace $0x90000046  }
0x29: {  	s29 =	simm.s32 $0x9;
	_ =	strace $0x80000048  }
0x2a: {  	_ =	swait.ge [sflag:s29], $0x1  }
0x2b: {  	[sflag:s29] =	ssyncadd.s32 $0xFFFFFFFF  }
0x2c: {  	_ =	strace $0x90000048  }
0x2d: {  	_ =	sfence  }
0x2e: {  	s30 =	sld [smem:$0x0];
	_ =	sdelay $0x2  }
0x2f: {  	s31 =	sshll.u32 s3, $0xD;
	s3 =	sshrl.u32 s3, $0x2  }
0x30: {  	s2 =	sand.u32 $0x4000, s31;
	s1 =	sadd.s32 s3, s30  }
0x31: {  	s0 =	sor.u32 s2, s0;
	s1 =	sshll.u32 s1, $0x11  }
0x32: {  	s0 =	sor.u32 s1, s0  }
0x33: {  	s0 =	sadd.s32 $0x8F2B, s0  }
0x34: {  	[sflag:s0] =	ssyncadd.remote.s32 $0x1  }
0x35: {  	_ =	sfence.sel $0xFFFF  }
0x36: {  	[dreg:$0x0] =	wrdreg $0xFFFFFFFF;
	(pc) =	sbr.abs _section_cstart, $3  }
0x37: {  	[dreg:$0x1] =	wrdreg $0xFFFFFFFF  }
0x38: {  	_ =	task.clear_ibuf [dreg:s6], $0x2FFFF;
	_ =	strace $0x9FFFFFFF  }
0x39: {  	(tm) =	ssettm $0x7FFFFFFF  }
tec
execute0_lowered:
.L_overlay_start_1:
0x0: {  	(tag) =	ssettag $0x1  }
0x1: {  	s1 =	rddreg [dreg:$0x0]  }
0x2: {  	s0 =	rddreg [dreg:$0x1]  }
0x3: {  	_ =	strace $0x80000047;
	s4 =	srdreg.scid;
	s6 =	simm.s32 $0x2  }
.Ltmp0:
0x4: {  	p0 =	por $0x0, $0x0;
	s9 =	simm.s32 $0x0;
	(pc) =	sbr.rel .LBB1_1-.Ltmp0, $4  }
0x5: {  	s2 =	sadd.s32 $0x3800, s1;
	s3 =	sadd.s32 $0x203800, s1;
	s5 =	sshll.u32 s4, $0x4  }
0x6: {  	s1 =	stileid.u32;
	s4 =	simm.s32 $0x1;
	s5 =	sand.u32 $0x10, s5  }
0x7: {  	s7 =	simm.s32 $0x0;
	[sflag:s4] =	ssyncpa.u1 $0x0;
	s5 =	sor.u32 s1, s5  }
0x8: {  	[sflag:s6] =	ssyncpa.u1 $0x0;
	s6 =	simm.s32 $0x0;
	s8 =	smov.u32 s5  }
.LBB1_7:
0x9: {  	s11 =	sadd.s32 $0x20, s8  }
0xa: {  	p1 =	slt.u32 s7, $0x2;
	s7 =	sadd.s32 $0x1, s7;
	p2 =	sgt.s32 s11, $0x3FF  }
0xb: {  	s11 =	smov.u32 @p2 s5;
	p2 =	sne.s32 s7, $0x22  }
.Ltmp1:
0xc: {  	_ = 	snop;
	(pc) =	sbr.rel @!p2 .LBB1_8-.Ltmp1, $4  }
0xd: {  	s10 =	simm.s32 @!p1 $0x2  }
0xe: {  	_ =	swait.ge @!p1 [sflag:s10], $0x4000  }
0xf: {  	s9 =	smov.u32 s8;
	[sflag:s10] =	ssyncset.done @!p1 $0x0  }
0x10: {  	p0 =	por !p0, !p0;
	s8 =	smov.u32 s11;
	[sflag:s10] =	ssyncadd.s32 @!p1 $0xFFFFC000  }
.LBB1_1:
0x11: {  	p1 =	sgt.u32 s7, $0x1F  }
0x12: {  	s10 =	sxor.u32 @!p1 $0xFFFFFFFF, s7  }
0x13: {  	s11 =	sshll.u32 @!p1 s8, $0xB;
	s10 =	sshll.u32 @!p1 s10, $0xE  }
0x14: {  	s12 =	simm.s32 @!p1 $0x0;
	s11 =	sadd.s32 @!p1 s2, s11;
	s10 =	sand.u32 @!p1 $0x4000, s10  }
0x15: {  	[tilespmem:s10], [sflag:$0x1] =	stream.linear.gather @!p1 [hbm4b:s11+s12], $0x4000, $0x38;
	[tilespmem:$0x10000] =	vst v63  }
0x16: {  	p1 =	seq.s32 s7, $0x0  }
0x17: {  	p2 =	seq.s32 @!p1 s7, $0x21  }
0x18: {  	p1 =	por p1, p2  }
.Ltmp2:
0x19: {  	_ = 	snop;
	(pc) =	sbr.rel @p1 .LBB1_7-.Ltmp2, $1  }
0x1a: {  	_ =	sdelay $0x3  }
0x1b: {  	s10 =	simm.s32 $0x1;
	_ =	swait.ge [sflag:s4], $0x4000;
	s12 =	sshll.u32 s7, $0xE  }
0x1c: {  	s13 =	simm.s32 $0x0;
	s10 =	simm.s32 @!p0 $0x0;
	[sflag:s4] =	ssyncset.done $0x0  }
0x1d: {  	s12 =	sand.u32 $0x4000, s12;
	s11 =	sshll.u32 s10, $0xE;
	[sflag:s4] =	ssyncadd.s32 $0xFFFFC000  }
0x1e: {  	s12 =	sor.u32 $0x8000, s12;
	s10 =	sor.u32 $0x8040, s11;
	s11 =	sor.u32 $0x40, s11  }
.LBB1_3:
0x1f: {  	v0 =	vmov s11;
	_ =	sdelay $0x3  }
0x20: {  	s15 =	simm.s32 $0x0  }
0x21: {  	v6 =	vld.idx.msk [tilespmem:v0+s15+$0x30 ss:$0x1], $0xffff  }
0x22: {  	v7 =	vld.idx.msk [tilespmem:v0+s15+$0xFFFFFFC0 ss:$0x1], $0xffff  }
0x23: {  	v5 =	vld.idx.msk [tilespmem:v0+s15+$0xFFFFFFD0 ss:$0x1], $0xffff  }
0x24: {  	v4 =	vld.idx.msk [tilespmem:v0+s15+$0xFFFFFFE0 ss:$0x1], $0xffff  }
0x25: {  	v3 =	vld.idx.msk [tilespmem:v0+s15+$0xFFFFFFF0 ss:$0x1], $0xffff  }
0x26: {  	v1 =	vld.idx.msk [tilespmem:v0+s15+$0x0 ss:$0x1], $0xffff  }
0x27: {  	v2 =	vld.idx.msk [tilespmem:v0+s15+$0x10 ss:$0x1], $0xffff;
	[tilespmem:s10+$0x30] =	vst v6  }
0x28: {  	s14 =	simm.s32 $0x80;
	s16 =	simm.s32 $0x400;
	[tilespmem:s10+$0xFFFFFFC0] =	vst v7;
	v6 =	vld.idx.msk [tilespmem:v0+s15+$0x20 ss:$0x1], $0xffff;
	s15 =	smov.u32 s10  }
.LBB1_4:
0x29: {  	p1 =	sne.s32 s16, $0xE00;
	v7 =	vld.idx.msk [tilespmem:v0+s14+$0x30 ss:$0x1], $0xffff;
	[tilespmem:s15+$0xFFFFFFD0] =	vst v5  }
0x2a: {  	v8 =	vld.idx.msk [tilespmem:v0+s14+$0xFFFFFFC0 ss:$0x1], $0xffff;
	[tilespmem:s15+$0xFFFFFFE0] =	vst v4  }
0x2b: {  	v5 =	vld.idx.msk [tilespmem:v0+s14+$0xFFFFFFD0 ss:$0x1], $0xffff;
	[tilespmem:s15+$0xFFFFFFF0] =	vst v3  }
.Ltmp3:
0x2c: {  	v4 =	vld.idx.msk [tilespmem:v0+s14+$0xFFFFFFE0 ss:$0x1], $0xffff;
	[tilespmem:s15+$0x0] =	vst v1;
	(pc) =	sbr.rel @p1 .LBB1_4-.Ltmp3, $4  }
0x2d: {  	v3 =	vld.idx.msk [tilespmem:v0+s14+$0xFFFFFFF0 ss:$0x1], $0xffff;
	[tilespmem:s15+$0x10] =	vst v2  }
0x2e: {  	v1 =	vld.idx.msk [tilespmem:v0+s14+$0x0 ss:$0x1], $0xffff;
	[tilespmem:s15+$0x20] =	vst v6;
	s15 =	sadd.s32 $0x800, s15  }
0x2f: {  	v2 =	vld.idx.msk [tilespmem:v0+s14+$0x10 ss:$0x1], $0xffff;
	[tilespmem:s15+$0x30] =	vst v7  }
0x30: {  	[tilespmem:s15+$0xFFFFFFC0] =	vst v8;
	v6 =	vld.idx.msk [tilespmem:v0+s14+$0x20 ss:$0x1], $0xffff;
	s14 =	sshra.s32 s16, $0x2;
	s16 =	sadd.s32 $0x200, s16  }
0x31: {  	_ =	sdelay $0x2  }
0x32: {  	[tilespmem:s15+$0xFFFFFFD0] =	vst v5  }
0x33: {  	v56 =	vld.idx.msk [tilespmem:v0+s14+$0x30 ss:$0x1], $0xffff;
	[tilespmem:s15+$0xFFFFFFE0] =	vst v4  }
0x34: {  	v57 =	vld.idx.msk [tilespmem:v0+s14+$0xFFFFFFC0 ss:$0x1], $0xffff;
	[tilespmem:s15+$0xFFFFFFF0] =	vst v3  }
0x35: {  	v58 =	vld.idx.msk [tilespmem:v0+s14+$0xFFFFFFD0 ss:$0x1], $0xffff;
	[tilespmem:s15+$0x0] =	vst v1  }
0x36: {  	v59 =	vld.idx.msk [tilespmem:v0+s14+$0xFFFFFFE0 ss:$0x1], $0xffff;
	[tilespmem:s15+$0x10] =	vst v2  }
0x37: {  	v60 =	vld.idx.msk [tilespmem:v0+s14+$0xFFFFFFF0 ss:$0x1], $0xffff;
	s31 =	sadd.s32 $0x800, s15;
	[tilespmem:s15+$0x20] =	vst v6  }
0x38: {  	v61 =	vld.idx.msk [tilespmem:v0+s14+$0x0 ss:$0x1], $0xffff;
	[tilespmem:s31+$0x30] =	vst v56  }
0x39: {  	v62 =	vld.idx.msk [tilespmem:v0+s14+$0x10 ss:$0x1], $0xffff;
	s13 =	sadd.s32 $0x1, s13;
	[tilespmem:s31+$0xFFFFFFC0] =	vst v57  }
0x3a: {  	v63 =	vld.idx.msk [tilespmem:v0+s14+$0x20 ss:$0x1], $0xffff;
	p1 =	sne.s32 s13, $0x10;
	[tilespmem:s31+$0xFFFFFFD0] =	vst v58  }
.Ltmp4:
0x3b: {  	[tilespmem:s31+$0xFFFFFFE0] =	vst v59;
	(pc) =	sbr.rel @p1 .LBB1_3-.Ltmp4, $4  }
0x3c: {  	[tilespmem:s31+$0xFFFFFFF0] =	vst v60  }
0x3d: {  	[tilespmem:s31+$0x0] =	vst v61  }
0x3e: {  	[tilespmem:s31+$0x10] =	vst v62  }
0x3f: {  	s10 =	sadd.s32 $0x80, s10;
	s11 =	sadd.s32 $0x400, s11;
	[tilespmem:s31+$0x20] =	vst v63  }
.Ltmp5:
0x40: {  	(pc) =	sbr.rel .LBB1_7-.Ltmp5, $4  }
0x41: {  	_ = 	snop  }
0x42: {  	s9 =	sshll.u32 s9, $0xB  }
0x43: {  	s9 =	sadd.s32 s3, s9  }
0x44: {  	[hbm4b:s9+s6] =	stream.linear.scatter [tilespmem:s12], [sflag:$0x2], $0x4000, $0x38;
	[tilespmem:$0x10000] =	vst v63  }
.LBB1_8:
0x45: {  	_ =	sfence.sel $0x180000  }
0x46: {  	s2 =	simm.s32 $0x1;
	[bflag:$0x0] =	sbarrier.arrive $0xFFFF  }
0x47: {  	s31 =	simm.s32 $0x2;
	[sflag:s2] =	ssyncpa.u1 $0x1  }
0x48: {  	[sflag:s31] =	ssyncpa.u1 $0x1  }
0x49: {  	p0 =	sne.s32 s1, $0x0;
	_ =	strace $0x90000047  }
0x4a: {  	s0 =	sadd.s32 @!p0 $0x100000, s0;
	[bflag:$0x2] =	sbarrier.arrive $0xFFFF  }
0x4b: {  	[sflag:s0] =	ssyncadd.tile.s32 @!p0 $0x1;
	_ =	shalt  }
.Lfunc_end1:
_tile_overlayer_lowered:
.L_overlay_start_2:
0x4c: {  	(tag) =	ssettag $0x2  }
0x4d: {  	s0 =	rddreg [dreg:$0x0];
	s2 =	stileid.u32  }
0x4e: {  	s1 =	rddreg [dreg:$0x1];
	p0 =	sne.s32 s2, $0x0  }
0x4f: {  	s3 =	rddreg [dreg:$0x2];
	[bflag:$0x3] =	sbarrier.arrive $0xFFFF;
	s2 =	simm.s32 @!p0 $0x1C01  }
0x50: {  	[timem:s3], [sflag:s2] =	dma.local @!p0 [hbm:s0], s1  }
0x51: {  	s0 =	simm.s32 @!p0 $0x1  }
0x52: {  	_ =	swait.ge @!p0 [sflag:s0], s1  }
0x53: {  	s1 =	ssub.s32 @!p0 $0x0, s1;
	[sflag:s0] =	ssyncset.done @!p0 $0x0  }
0x54: {  	[sflag:s0] =	ssyncadd.s32 @!p0 s1  }
0x55: {  	[bflag:$0x3] =	sbarrier.arrive $0xFFFF  }
0x56: {  	_ =	shalt  }

</sc_bundles>
